<compile_context>
chip_gen: v7x
topology: tpu7x:2x2x1
jax: 0.10.2.dev20260603
libtpu: 0.0.44.dev20260713+nightly
codegen_flags: <defaults>
</compile_context>

<pallas_src>
import functools

import jax
import jax.numpy as jnp
from jax import lax
from jax.experimental import pallas as pl
from jax.experimental.pallas import tpu as pltpu
from jax.experimental.pallas import tpu_sc as plsc

B = 64
C = 32
U = 5000
UP = 5120
H = 4
D = 128
HIST_BASE = 50000
TOPK = 5
NSLOT = 8

NC, NS = 2, 16
NW = NC * NS
QPW = B // NW


def _sim_topk_body(ctx_ref, hist_ref, nodes_ref, ids_ref):
    test_bin = (ctx_ref[...] > 0).astype(jnp.bfloat16)
    test0 = (ctx_ref[:, 0:1] > 0).astype(jnp.float32)
    sim = None
    for h in range(H):
        hs = hist_ref[:, h * UP:(h + 1) * UP].astype(jnp.int32)
        hb = (hs > 0).astype(jnp.bfloat16)
        d = jnp.dot(test_bin, hb, preferred_element_type=jnp.float32)
        corr = test0 * (hs[0:1, :] == 0).astype(jnp.float32)
        cm = d + corr
        sim = cm if sim is None else jnp.maximum(sim, cm)
    lane = lax.broadcasted_iota(jnp.int32, (B, UP), 1)
    key = jnp.where(lane < U,
                    sim.astype(jnp.int32) * 8192 + (8191 - lane),
                    jnp.int32(-1))
    slot = lax.broadcasted_iota(jnp.int32, (B, NSLOT), 1)
    ids = jnp.where(slot == 0, nodes_ref[...], 0)
    cur = None
    for k in range(TOPK):
        cand = key if cur is None else jnp.where(key < cur, key, jnp.int32(-1))
        cur = jnp.max(cand, axis=1, keepdims=True)
        idx = 8191 - jnp.bitwise_and(cur, 8191)
        ids = jnp.where(slot == k + 1, idx + HIST_BASE, ids)
    ids_ref[...] = ids


def _mlp_body(comb_ref, w_ref, b_ref, o_ref):
    out = lax.dot_general(comb_ref[...], w_ref[...], (((1,), (1,)), ((), ())),
                          preferred_element_type=jnp.float32)
    o_ref[...] = jnp.maximum(out + b_ref[...], 0.0)


@functools.cache
def _make_sc_gather_combine():
    mesh = plsc.VectorSubcoreMesh(core_axis_name="c", subcore_axis_name="s")

    @functools.partial(
        pl.kernel, mesh=mesh,
        out_type=jax.ShapeDtypeStruct((B, 2 * D), jnp.float32),
        scratch_types=[
            pltpu.VMEM((QPW, NSLOT), jnp.int32),
            pltpu.VMEM((QPW, NSLOT, D), jnp.float32),
            pltpu.VMEM((QPW, 2 * D), jnp.float32),
            pltpu.SemaphoreType.DMA,
        ],
    )
    def gather_k(table_hbm, idx_hbm, out_hbm, idx_v, rows_v, comb_v, sem):
        wid = lax.axis_index("s") * NC + lax.axis_index("c")
        pltpu.sync_copy(idx_hbm.at[pl.ds(wid * QPW, QPW)], idx_v)
        cps = [pltpu.make_async_copy(table_hbm.at[idx_v.at[q]], rows_v.at[q], sem)
               for q in range(QPW)]
        for cp in cps:
            cp.start()
        for cp in cps:
            cp.wait()
        for q in range(QPW):
            for c in range(D // 16):
                sl = pl.ds(16 * c, 16)
                acc = rows_v[q, 1, sl]
                for s in range(2, TOPK + 1):
                    acc = acc + rows_v[q, s, sl]
                comb_v[q, sl] = rows_v[q, 0, sl]
                comb_v[q, pl.ds(D + 16 * c, 16)] = acc * (1.0 / TOPK)
        pltpu.sync_copy(comb_v, out_hbm.at[pl.ds(wid * QPW, QPW)])

    return gather_k


def kernel(nodes, context, hist_ctx, features, W1, b1):
    histT = jnp.pad(hist_ctx.astype(jnp.int8),
                    ((0, UP - U), (0, 0), (0, 0))).transpose(2, 1, 0)
    histT = histT.reshape(C, H * UP)
    nodes2d = nodes.reshape(B, 1)

    ids = pl.pallas_call(
        _sim_topk_body,
        out_shape=jax.ShapeDtypeStruct((B, NSLOT), jnp.int32),
    )(context, histT, nodes2d)

    combined = _make_sc_gather_combine()(features, ids)

    out = pl.pallas_call(
        _mlp_body,
        out_shape=jax.ShapeDtypeStruct((B, D), jnp.float32),
    )(combined, W1, b1.reshape(1, D))
    return out

# --- scband reference (transcript-rebuilt; emitter-appended) ---
"""Pipeline reference for scband-social-encoder-60816736911916 (READ-ONLY COPY).

The authoritative reference and input builder live on the scoring server;
editing this copy changes nothing except your own understanding.
"""

import jax, jax.numpy as jnp
import numpy as np

B = 64        # batch of query nodes
C = 32        # context vector length
U = 5000      # number of users with interaction history (history_uvc keys)
H = 4         # histories per user
NUM_EMB = 60000  # embedding table rows (node ids 0..49999, history users 50000..54999)
D = 128       # embed_dim
HIST_BASE = 50000  # history user ids start here, disjoint from query node ids -> else-branch
TOPK = 5


def setup_inputs(seed: int = 0) -> dict:
    key = jax.random.key(seed)
    k1, k2, k3, k4, k5 = jax.random.split(key, 5)
    nodes = jax.random.randint(k1, (B,), 0, HIST_BASE, dtype=jnp.int32)
    context = jax.random.randint(k2, (B, C), 0, 2, dtype=jnp.int32)
    # module state: history_uvc as dense [U, H, C] binary contexts for users HIST_BASE..HIST_BASE+U-1
    hist_ctx = jax.random.randint(k3, (U, H, C), 0, 2, dtype=jnp.int32)
    # self.features embedding table
    features = jax.random.normal(k4, (NUM_EMB, D), dtype=jnp.float32)
    # self.linear1: Linear(2*D -> D)
    W1 = jax.random.normal(k5, (D, 2 * D), dtype=jnp.float32) * (1.0 / np.sqrt(2.0 * D))
    b1 = jnp.zeros((D,), dtype=jnp.float32)
    return {"nodes": nodes, "context": context, "hist_ctx": hist_ctx,
            "features": features, "W1": W1, "b1": b1}


def reference(nodes, context, hist_ctx, features, W1, b1):
    # SimilarwrtContext, vectorized. With binary contexts, the Python set logic
    # templist = {i: hist[i]>0} U ({0} if any hist[i]==0), test_cont = {i: test[i]>0}
    # gives |intersection| = dot(test_bin, hist_bin) + [test[0]>0 and hist[0]==0].
    test_bin = (context > 0).astype(jnp.float32)            # [B, C]
    hist_bin = (hist_ctx > 0).astype(jnp.float32)           # [U, H, C]
    dot = jnp.einsum('bc,uhc->buh', test_bin, hist_bin)     # [B, U, H]
    corr = test_bin[:, 0][:, None, None] * (hist_ctx[:, :, 0] == 0).astype(jnp.float32)[None, :, :]
    common = dot + corr                                     # [B, U, H]
    # sim_uv[k] keeps the max common over k's history lists
    sim = jnp.max(common, axis=2)                           # [B, U]
    # query nodes are never history keys -> else branch: top-5 of sorted_simIU
    # (stable sort desc by value, ties broken by ascending key == lax.top_k tie rule)
    _, top_idx = jax.lax.top_k(sim, TOPK)                   # [B, 5]
    neigh_ids = HIST_BASE + top_idx                         # global user ids
    # mean aggregator over the 5 social neighbors
    neigh_feats = jnp.mean(jnp.take(features, neigh_ids, axis=0), axis=1)  # [B, D]
    self_feats = jnp.take(features, nodes, axis=0)          # [B, D]
    combined = jnp.concatenate([self_feats, neigh_feats], axis=1)          # [B, 2D]
    return jax.nn.relu(combined @ W1.T + b1)                # [B, D]

if __name__ == "__main__":
    import jax
    _d = setup_inputs()
    print(jax.jit(kernel)(*tuple(_d.values())))

</pallas_src>

<mosaic_0001>
#map = affine_map<(d0, d1) -> (0, 0)>
module attributes {stable_mosaic.version = 14 : i64} {
  func.func @gather_k(%arg0: i32, %arg1: i32, %arg2: memref<60000x128xf32, #tpu.memory_space<hbm>>, %arg3: memref<64x8xi32, #tpu.memory_space<hbm>>, %arg4: memref<64x256xf32, #tpu.memory_space<hbm>>, %arg5: memref<2x8xi32, #tpu.memory_space<vmem>>, %arg6: memref<2x8x128xf32, #tpu.memory_space<vmem>>, %arg7: memref<2x256xf32, #tpu.memory_space<vmem>>, %arg8: memref<!tpu.dma_semaphore, #tpu.memory_space<semaphore_mem>>) attributes {dimension_semantics = [#tpu.dimension_semantics<core_parallel>, #tpu.dimension_semantics<subcore_parallel>], iteration_bounds = array<i64: 2, 16>, scalar_prefetch = 0 : i64, scratch_operands = 4 : i64, tpu.core_type = #tpu.core_type<sc_vector_subcore>, window_params = [{transform_indices = #map}, {transform_indices = #map}, {transform_indices = #map}]} {
    %mul3A = arith.constant 2 : i32
    %mul3A_0 = arith.muli %arg1, %mul3A : i32
    %add3A = arith.addi %mul3A_0, %arg0 : i32
    %mul3A_1 = arith.constant 2 : i32
    %mul3A_2 = arith.muli %add3A, %mul3A_1 : i32
    "tpu.region"() ({
      %run_scoped3A = tpu.sem_alloc : memref<!tpu.dma_semaphore, #tpu.memory_space<semaphore_mem>>
      %dma_start3A_1025 = arith.constant 0 : i32
      %dma_start3A_1026 = tpu.memref_slice %arg3[%mul3A_2, %dma_start3A_1025] : memref<64x8xi32, #tpu.memory_space<hbm>> -> memref<2x8xi32, #tpu.memory_space<hbm>>
      %dma_start3A_1027 = arith.constant 0 : i32
      %dma_start3A_1028 = tpu.memref_slice %arg3[%mul3A_2, %dma_start3A_1027] : memref<64x8xi32, #tpu.memory_space<hbm>> -> memref<2x8xi32, #tpu.memory_space<hbm>>
      tpu.enqueue_dma source(%dma_start3A_1028 : memref<2x8xi32, #tpu.memory_space<hbm>>) target(%arg5 : memref<2x8xi32, #tpu.memory_space<vmem>>) target_semaphore(%run_scoped3A : memref<!tpu.dma_semaphore, #tpu.memory_space<semaphore_mem>>)
      %dma_wait3A_1029 = arith.constant 0 : i32
      %dma_wait3A_1030 = tpu.memref_slice %arg3[%mul3A_2, %dma_wait3A_1029] : memref<64x8xi32, #tpu.memory_space<hbm>> -> memref<2x8xi32, #tpu.memory_space<hbm>>
      %dma_wait3A_1031 = arith.constant 0 : i32
      %dma_wait3A_1032 = tpu.memref_slice %arg3[%mul3A_2, %dma_wait3A_1031] : memref<64x8xi32, #tpu.memory_space<hbm>> -> memref<2x8xi32, #tpu.memory_space<hbm>>
      tpu.wait_dma2 semaphore(%run_scoped3A : memref<!tpu.dma_semaphore, #tpu.memory_space<semaphore_mem>>) src(%dma_wait3A_1032 : memref<2x8xi32, #tpu.memory_space<hbm>>) dst(%arg5 : memref<2x8xi32, #tpu.memory_space<vmem>>)
      tpu.yield
    }) : () -> ()
    %dma_start3A = arith.constant 0 : i32
    %dma_start3A_3 = arith.constant 0 : i32
    %dma_start3A_4 = arith.constant 0 : i32
    %dma_start3A_5 = arith.constant 0 : i32
    %dma_start3A_6 = tpu.memref_slice %arg6[%dma_start3A_3, %dma_start3A_4, %dma_start3A_5] : memref<2x8x128xf32, #tpu.memory_space<vmem>> -> memref<1x8x128xf32, #tpu.memory_space<vmem>>
    %dma_start3A_7 = tpu.memref_squeeze %dma_start3A_6 : memref<1x8x128xf32, #tpu.memory_space<vmem>> -> memref<8x128xf32, #tpu.memory_space<vmem>>
    %dma_start3A_8 = arith.constant 0 : i32
    %dma_start3A_9 = tpu.memref_slice %arg5[%dma_start3A, %dma_start3A_8] : memref<2x8xi32, #tpu.memory_space<vmem>> -> memref<1x8xi32, #tpu.memory_space<vmem>>
    %dma_start3A_10 = tpu.memref_squeeze %dma_start3A_9 : memref<1x8xi32, #tpu.memory_space<vmem>> -> memref<8xi32, #tpu.memory_space<vmem>>
    %dma_start3A_11 = arith.constant 0 : i32
    %dma_start3A_12 = arith.constant 0 : i32
    %dma_start3A_13 = tpu.memref_slice %arg2[%dma_start3A_11, %dma_start3A_12] : memref<60000x128xf32, #tpu.memory_space<hbm>> -> memref<60000x128xf32, #tpu.memory_space<hbm>>
    tpu.enqueue_indirect_dma source(%dma_start3A_13 : memref<60000x128xf32, #tpu.memory_space<hbm>>) target(%dma_start3A_7 : memref<8x128xf32, #tpu.memory_space<vmem>>) offsets(%dma_start3A_10 : memref<8xi32, #tpu.memory_space<vmem>>) semaphore(%arg8 : memref<!tpu.dma_semaphore, #tpu.memory_space<semaphore_mem>>)
    %dma_start3A_14 = arith.constant 1 : i32
    %dma_start3A_15 = arith.constant 1 : i32
    %dma_start3A_16 = arith.constant 0 : i32
    %dma_start3A_17 = arith.constant 0 : i32
    %dma_start3A_18 = tpu.memref_slice %arg6[%dma_start3A_15, %dma_start3A_16, %dma_start3A_17] : memref<2x8x128xf32, #tpu.memory_space<vmem>> -> memref<1x8x128xf32, #tpu.memory_space<vmem>>
    %dma_start3A_19 = tpu.memref_squeeze %dma_start3A_18 : memref<1x8x128xf32, #tpu.memory_space<vmem>> -> memref<8x128xf32, #tpu.memory_space<vmem>>
    %dma_start3A_20 = arith.constant 0 : i32
    %dma_start3A_21 = tpu.memref_slice %arg5[%dma_start3A_14, %dma_start3A_20] : memref<2x8xi32, #tpu.memory_space<vmem>> -> memref<1x8xi32, #tpu.memory_space<vmem>>
    %dma_start3A_22 = tpu.memref_squeeze %dma_start3A_21 : memref<1x8xi32, #tpu.memory_space<vmem>> -> memref<8xi32, #tpu.memory_space<vmem>>
    %dma_start3A_23 = arith.constant 0 : i32
    %dma_start3A_24 = arith.constant 0 : i32
    %dma_start3A_25 = tpu.memref_slice %arg2[%dma_start3A_23, %dma_start3A_24] : memref<60000x128xf32, #tpu.memory_space<hbm>> -> memref<60000x128xf32, #tpu.memory_space<hbm>>
    tpu.enqueue_indirect_dma source(%dma_start3A_25 : memref<60000x128xf32, #tpu.memory_space<hbm>>) target(%dma_start3A_19 : memref<8x128xf32, #tpu.memory_space<vmem>>) offsets(%dma_start3A_22 : memref<8xi32, #tpu.memory_space<vmem>>) semaphore(%arg8 : memref<!tpu.dma_semaphore, #tpu.memory_space<semaphore_mem>>)
    %dma_wait3A = arith.constant 0 : i32
    %dma_wait3A_26 = arith.constant 0 : i32
    %dma_wait3A_27 = arith.constant 0 : i32
    %dma_wait3A_28 = arith.constant 0 : i32
    %dma_wait3A_29 = tpu.memref_slice %arg6[%dma_wait3A_26, %dma_wait3A_27, %dma_wait3A_28] : memref<2x8x128xf32, #tpu.memory_space<vmem>> -> memref<1x8x128xf32, #tpu.memory_space<vmem>>
    %dma_wait3A_30 = tpu.memref_squeeze %dma_wait3A_29 : memref<1x8x128xf32, #tpu.memory_space<vmem>> -> memref<8x128xf32, #tpu.memory_space<vmem>>
    %dma_wait3A_31 = arith.constant 0 : i32
    %dma_wait3A_32 = tpu.memref_slice %arg5[%dma_wait3A, %dma_wait3A_31] : memref<2x8xi32, #tpu.memory_space<vmem>> -> memref<1x8xi32, #tpu.memory_space<vmem>>
    %dma_wait3A_33 = tpu.memref_squeeze %dma_wait3A_32 : memref<1x8xi32, #tpu.memory_space<vmem>> -> memref<8xi32, #tpu.memory_space<vmem>>
    %dma_wait3A_34 = arith.constant 0 : i32
    %dma_wait3A_35 = arith.constant 0 : i32
    %dma_wait3A_36 = tpu.memref_slice %arg2[%dma_wait3A_34, %dma_wait3A_35] : memref<60000x128xf32, #tpu.memory_space<hbm>> -> memref<60000x128xf32, #tpu.memory_space<hbm>>
    tpu.wait_indirect_dma semaphore(%arg8 : memref<!tpu.dma_semaphore, #tpu.memory_space<semaphore_mem>>) src(%dma_wait3A_36 : memref<60000x128xf32, #tpu.memory_space<hbm>>) dst(%dma_wait3A_30 : memref<8x128xf32, #tpu.memory_space<vmem>>)
    %dma_wait3A_37 = arith.constant 1 : i32
    %dma_wait3A_38 = arith.constant 1 : i32
    %dma_wait3A_39 = arith.constant 0 : i32
    %dma_wait3A_40 = arith.constant 0 : i32
    %dma_wait3A_41 = tpu.memref_slice %arg6[%dma_wait3A_38, %dma_wait3A_39, %dma_wait3A_40] : memref<2x8x128xf32, #tpu.memory_space<vmem>> -> memref<1x8x128xf32, #tpu.memory_space<vmem>>
    %dma_wait3A_42 = tpu.memref_squeeze %dma_wait3A_41 : memref<1x8x128xf32, #tpu.memory_space<vmem>> -> memref<8x128xf32, #tpu.memory_space<vmem>>
    %dma_wait3A_43 = arith.constant 0 : i32
    %dma_wait3A_44 = tpu.memref_slice %arg5[%dma_wait3A_37, %dma_wait3A_43] : memref<2x8xi32, #tpu.memory_space<vmem>> -> memref<1x8xi32, #tpu.memory_space<vmem>>
    %dma_wait3A_45 = tpu.memref_squeeze %dma_wait3A_44 : memref<1x8xi32, #tpu.memory_space<vmem>> -> memref<8xi32, #tpu.memory_space<vmem>>
    %dma_wait3A_46 = arith.constant 0 : i32
    %dma_wait3A_47 = arith.constant 0 : i32
    %dma_wait3A_48 = tpu.memref_slice %arg2[%dma_wait3A_46, %dma_wait3A_47] : memref<60000x128xf32, #tpu.memory_space<hbm>> -> memref<60000x128xf32, #tpu.memory_space<hbm>>
    tpu.wait_indirect_dma semaphore(%arg8 : memref<!tpu.dma_semaphore, #tpu.memory_space<semaphore_mem>>) src(%dma_wait3A_48 : memref<60000x128xf32, #tpu.memory_space<hbm>>) dst(%dma_wait3A_42 : memref<8x128xf32, #tpu.memory_space<vmem>>)
    %get3A = arith.constant 0 : i32
    %get3A_49 = arith.constant 1 : i32
    %get3A_50 = arith.index_cast %get3A : i32 to index
    %get3A_51 = arith.index_cast %get3A_49 : i32 to index
    %get3A_52 = arith.constant 0 : index
    %get3A_53 = tpu.vector_load %arg6[%get3A_50, %get3A_51, %get3A_52] {strides = array<i32>} : memref<2x8x128xf32, #tpu.memory_space<vmem>>, vector<1x1x16xf32>,
    %get3A_54 = vector.shape_cast %get3A_53 : vector<1x1x16xf32> to vector<16xf32>
    %get3A_55 = arith.constant 0 : i32
    %get3A_56 = arith.constant 2 : i32
    %get3A_57 = arith.index_cast %get3A_55 : i32 to index
    %get3A_58 = arith.index_cast %get3A_56 : i32 to index
    %get3A_59 = arith.constant 0 : index
    %get3A_60 = tpu.vector_load %arg6[%get3A_57, %get3A_58, %get3A_59] {strides = array<i32>} : memref<2x8x128xf32, #tpu.memory_space<vmem>>, vector<1x1x16xf32>,
    %get3A_61 = vector.shape_cast %get3A_60 : vector<1x1x16xf32> to vector<16xf32>
    %add3A_62 = arith.addf %get3A_54, %get3A_61 : vector<16xf32>
    %get3A_63 = arith.constant 0 : i32
    %get3A_64 = arith.constant 3 : i32
    %get3A_65 = arith.index_cast %get3A_63 : i32 to index
    %get3A_66 = arith.index_cast %get3A_64 : i32 to index
    %get3A_67 = arith.constant 0 : index
    %get3A_68 = tpu.vector_load %arg6[%get3A_65, %get3A_66, %get3A_67] {strides = array<i32>} : memref<2x8x128xf32, #tpu.memory_space<vmem>>, vector<1x1x16xf32>,
    %get3A_69 = vector.shape_cast %get3A_68 : vector<1x1x16xf32> to vector<16xf32>
    %add3A_70 = arith.addf %add3A_62, %get3A_69 : vector<16xf32>
    %get3A_71 = arith.constant 0 : i32
    %get3A_72 = arith.constant 4 : i32
    %get3A_73 = arith.index_cast %get3A_71 : i32 to index
    %get3A_74 = arith.index_cast %get3A_72 : i32 to index
    %get3A_75 = arith.constant 0 : index
    %get3A_76 = tpu.vector_load %arg6[%get3A_73, %get3A_74, %get3A_75] {strides = array<i32>} : memref<2x8x128xf32, #tpu.memory_space<vmem>>, vector<1x1x16xf32>,
    %get3A_77 = vector.shape_cast %get3A_76 : vector<1x1x16xf32> to vector<16xf32>
    %add3A_78 = arith.addf %add3A_70, %get3A_77 : vector<16xf32>
    %get3A_79 = arith.constant 0 : i32
    %get3A_80 = arith.constant 5 : i32
    %get3A_81 = arith.index_cast %get3A_79 : i32 to index
    %get3A_82 = arith.index_cast %get3A_80 : i32 to index
    %get3A_83 = arith.constant 0 : index
    %get3A_84 = tpu.vector_load %arg6[%get3A_81, %get3A_82, %get3A_83] {strides = array<i32>} : memref<2x8x128xf32, #tpu.memory_space<vmem>>, vector<1x1x16xf32>,
    %get3A_85 = vector.shape_cast %get3A_84 : vector<1x1x16xf32> to vector<16xf32>
    %add3A_86 = arith.addf %add3A_78, %get3A_85 : vector<16xf32>
    %get3A_87 = arith.constant 0 : i32
    %get3A_88 = arith.constant 0 : i32
    %get3A_89 = arith.index_cast %get3A_87 : i32 to index
    %get3A_90 = arith.index_cast %get3A_88 : i32 to index
    %get3A_91 = arith.constant 0 : index
    %get3A_92 = tpu.vector_load %arg6[%get3A_89, %get3A_90, %get3A_91] {strides = array<i32>} : memref<2x8x128xf32, #tpu.memory_space<vmem>>, vector<1x1x16xf32>,
    %get3A_93 = vector.shape_cast %get3A_92 : vector<1x1x16xf32> to vector<16xf32>
    %swap3A = arith.constant 0 : i32
    %swap3A_94 = arith.index_cast %swap3A : i32 to index
    %swap3A_95 = arith.constant 0 : index
    %swap3A_96 = tpu.vector_load %arg7[%swap3A_94, %swap3A_95] {strides = array<i32>} : memref<2x256xf32, #tpu.memory_space<vmem>>, vector<1x16xf32>,
    %swap3A_97 = vector.shape_cast %swap3A_96 : vector<1x16xf32> to vector<16xf32>
    %swap3A_98 = vector.shape_cast %get3A_93 : vector<16xf32> to vector<1x16xf32>
    tpu.vector_store %arg7[%swap3A_94, %swap3A_95], %swap3A_98 {strides = array<i32>} : memref<2x256xf32, #tpu.memory_space<vmem>>, vector<1x16xf32>,
    %mul3A_99 = arith.constant 2.000000e-01 : f32
    %mul3A_100 = vector.broadcast %mul3A_99 : f32 to vector<16xf32>
    %mul3A_101 = arith.mulf %add3A_86, %mul3A_100 : vector<16xf32>
    %swap3A_102 = arith.constant 0 : i32
    %swap3A_103 = arith.index_cast %swap3A_102 : i32 to index
    %swap3A_104 = arith.constant 128 : index
    %swap3A_105 = tpu.vector_load %arg7[%swap3A_103, %swap3A_104] {strides = array<i32>} : memref<2x256xf32, #tpu.memory_space<vmem>>, vector<1x16xf32>,
    %swap3A_106 = vector.shape_cast %swap3A_105 : vector<1x16xf32> to vector<16xf32>
    %swap3A_107 = vector.shape_cast %mul3A_101 : vector<16xf32> to vector<1x16xf32>
    tpu.vector_store %arg7[%swap3A_103, %swap3A_104], %swap3A_107 {strides = array<i32>} : memref<2x256xf32, #tpu.memory_space<vmem>>, vector<1x16xf32>,
    %get3A_108 = arith.constant 0 : i32
    %get3A_109 = arith.constant 1 : i32
    %get3A_110 = arith.index_cast %get3A_108 : i32 to index
    %get3A_111 = arith.index_cast %get3A_109 : i32 to index
    %get3A_112 = arith.constant 16 : index
    %get3A_113 = tpu.vector_load %arg6[%get3A_110, %get3A_111, %get3A_112] {strides = array<i32>} : memref<2x8x128xf32, #tpu.memory_space<vmem>>, vector<1x1x16xf32>,
    %get3A_114 = vector.shape_cast %get3A_113 : vector<1x1x16xf32> to vector<16xf32>
    %get3A_115 = arith.constant 0 : i32
    %get3A_116 = arith.constant 2 : i32
    %get3A_117 = arith.index_cast %get3A_115 : i32 to index
    %get3A_118 = arith.index_cast %get3A_116 : i32 to index
    %get3A_119 = arith.constant 16 : index
    %get3A_120 = tpu.vector_load %arg6[%get3A_117, %get3A_118, %get3A_119] {strides = array<i32>} : memref<2x8x128xf32, #tpu.memory_space<vmem>>, vector<1x1x16xf32>,
    %get3A_121 = vector.shape_cast %get3A_120 : vector<1x1x16xf32> to vector<16xf32>
    %add3A_122 = arith.addf %get3A_114, %get3A_121 : vector<16xf32>
    %get3A_123 = arith.constant 0 : i32
    %get3A_124 = arith.constant 3 : i32
    %get3A_125 = arith.index_cast %get3A_123 : i32 to index
    %get3A_126 = arith.index_cast %get3A_124 : i32 to index
    %get3A_127 = arith.constant 16 : index
    %get3A_128 = tpu.vector_load %arg6[%get3A_125, %get3A_126, %get3A_127] {strides = array<i32>} : memref<2x8x128xf32, #tpu.memory_space<vmem>>, vector<1x1x16xf32>,
    %get3A_129 = vector.shape_cast %get3A_128 : vector<1x1x16xf32> to vector<16xf32>
    %add3A_130 = arith.addf %add3A_122, %get3A_129 : vector<16xf32>
    %get3A_131 = arith.constant 0 : i32
    %get3A_132 = arith.constant 4 : i32
    %get3A_133 = arith.index_cast %get3A_131 : i32 to index
    %get3A_134 = arith.index_cast %get3A_132 : i32 to index
    %get3A_135 = arith.constant 16 : index
    %get3A_136 = tpu.vector_load %arg6[%get3A_133, %get3A_134, %get3A_135] {strides = array<i32>} : memref<2x8x128xf32, #tpu.memory_space<vmem>>, vector<1x1x16xf32>,
    %get3A_137 = vector.shape_cast %get3A_136 : vector<1x1x16xf32> to vector<16xf32>
    %add3A_138 = arith.addf %add3A_130, %get3A_137 : vector<16xf32>
    %get3A_139 = arith.constant 0 : i32
    %get3A_140 = arith.constant 5 : i32
    %get3A_141 = arith.index_cast %get3A_139 : i32 to index
    %get3A_142 = arith.index_cast %get3A_140 : i32 to index
    %get3A_143 = arith.constant 16 : index
    %get3A_144 = tpu.vector_load %arg6[%get3A_141, %get3A_142, %get3A_143] {strides = array<i32>} : memref<2x8x128xf32, #tpu.memory_space<vmem>>, vector<1x1x16xf32>,
    %get3A_145 = vector.shape_cast %get3A_144 : vector<1x1x16xf32> to vector<16xf32>
    %add3A_146 = arith.addf %add3A_138, %get3A_145 : vector<16xf32>
    %get3A_147 = arith.constant 0 : i32
    %get3A_148 = arith.constant 0 : i32
    %get3A_149 = arith.index_cast %get3A_147 : i32 to index
    %get3A_150 = arith.index_cast %get3A_148 : i32 to index
    %get3A_151 = arith.constant 16 : index
    %get3A_152 = tpu.vector_load %arg6[%get3A_149, %get3A_150, %get3A_151] {strides = array<i32>} : memref<2x8x128xf32, #tpu.memory_space<vmem>>, vector<1x1x16xf32>,
    %get3A_153 = vector.shape_cast %get3A_152 : vector<1x1x16xf32> to vector<16xf32>
    %swap3A_154 = arith.constant 0 : i32
    %swap3A_155 = arith.index_cast %swap3A_154 : i32 to index
    %swap3A_156 = arith.constant 16 : index
    %swap3A_157 = tpu.vector_load %arg7[%swap3A_155, %swap3A_156] {strides = array<i32>} : memref<2x256xf32, #tpu.memory_space<vmem>>, vector<1x16xf32>,
    %swap3A_158 = vector.shape_cast %swap3A_157 : vector<1x16xf32> to vector<16xf32>
    %swap3A_159 = vector.shape_cast %get3A_153 : vector<16xf32> to vector<1x16xf32>
    tpu.vector_store %arg7[%swap3A_155, %swap3A_156], %swap3A_159 {strides = array<i32>} : memref<2x256xf32, #tpu.memory_space<vmem>>, vector<1x16xf32>,
    %mul3A_160 = arith.constant 2.000000e-01 : f32
    %mul3A_161 = vector.broadcast %mul3A_160 : f32 to vector<16xf32>
    %mul3A_162 = arith.mulf %add3A_146, %mul3A_161 : vector<16xf32>
    %swap3A_163 = arith.constant 0 : i32
    %swap3A_164 = arith.index_cast %swap3A_163 : i32 to index
    %swap3A_165 = arith.constant 144 : index
    %swap3A_166 = tpu.vector_load %arg7[%swap3A_164, %swap3A_165] {strides = array<i32>} : memref<2x256xf32, #tpu.memory_space<vmem>>, vector<1x16xf32>,
    %swap3A_167 = vector.shape_cast %swap3A_166 : vector<1x16xf32> to vector<16xf32>
    %swap3A_168 = vector.shape_cast %mul3A_162 : vector<16xf32> to vector<1x16xf32>
    tpu.vector_store %arg7[%swap3A_164, %swap3A_165], %swap3A_168 {strides = array<i32>} : memref<2x256xf32, #tpu.memory_space<vmem>>, vector<1x16xf32>,
    %get3A_169 = arith.constant 0 : i32
    %get3A_170 = arith.constant 1 : i32
    %get3A_171 = arith.index_cast %get3A_169 : i32 to index
    %get3A_172 = arith.index_cast %get3A_170 : i32 to index
    %get3A_173 = arith.constant 32 : index
    %get3A_174 = tpu.vector_load %arg6[%get3A_171, %get3A_172, %get3A_173] {strides = array<i32>} : memref<2x8x128xf32, #tpu.memory_space<vmem>>, vector<1x1x16xf32>,
    %get3A_175 = vector.shape_cast %get3A_174 : vector<1x1x16xf32> to vector<16xf32>
    %get3A_176 = arith.constant 0 : i32
    %get3A_177 = arith.constant 2 : i32
    %get3A_178 = arith.index_cast %get3A_176 : i32 to index
    %get3A_179 = arith.index_cast %get3A_177 : i32 to index
    %get3A_180 = arith.constant 32 : index
    %get3A_181 = tpu.vector_load %arg6[%get3A_178, %get3A_179, %get3A_180] {strides = array<i32>} : memref<2x8x128xf32, #tpu.memory_space<vmem>>, vector<1x1x16xf32>,
    %get3A_182 = vector.shape_cast %get3A_181 : vector<1x1x16xf32> to vector<16xf32>
    %add3A_183 = arith.addf %get3A_175, %get3A_182 : vector<16xf32>
    %get3A_184 = arith.constant 0 : i32
    %get3A_185 = arith.constant 3 : i32
    %get3A_186 = arith.index_cast %get3A_184 : i32 to index
    %get3A_187 = arith.index_cast %get3A_185 : i32 to index
    %get3A_188 = arith.constant 32 : index
    %get3A_189 = tpu.vector_load %arg6[%get3A_186, %get3A_187, %get3A_188] {strides = array<i32>} : memref<2x8x128xf32, #tpu.memory_space<vmem>>, vector<1x1x16xf32>,
    %get3A_190 = vector.shape_cast %get3A_189 : vector<1x1x16xf32> to vector<16xf32>
    %add3A_191 = arith.addf %add3A_183, %get3A_190 : vector<16xf32>
    %get3A_192 = arith.constant 0 : i32
    %get3A_193 = arith.constant 4 : i32
    %get3A_194 = arith.index_cast %get3A_192 : i32 to index
    %get3A_195 = arith.index_cast %get3A_193 : i32 to index
    %get3A_196 = arith.constant 32 : index
    %get3A_197 = tpu.vector_load %arg6[%get3A_194, %get3A_195, %get3A_196] {strides = array<i32>} : memref<2x8x128xf32, #tpu.memory_space<vmem>>, vector<1x1x16xf32>,
    %get3A_198 = vector.shape_cast %get3A_197 : vector<1x1x16xf32> to vector<16xf32>
    %add3A_199 = arith.addf %add3A_191, %get3A_198 : vector<16xf32>
    %get3A_200 = arith.constant 0 : i32
    %get3A_201 = arith.constant 5 : i32
    %get3A_202 = arith.index_cast %get3A_200 : i32 to index
    %get3A_203 = arith.index_cast %get3A_201 : i32 to index
    %get3A_204 = arith.constant 32 : index
    %get3A_205 = tpu.vector_load %arg6[%get3A_202, %get3A_203, %get3A_204] {strides = array<i32>} : memref<2x8x128xf32, #tpu.memory_space<vmem>>, vector<1x1x16xf32>,
    %get3A_206 = vector.shape_cast %get3A_205 : vector<1x1x16xf32> to vector<16xf32>
    %add3A_207 = arith.addf %add3A_199, %get3A_206 : vector<16xf32>
    %get3A_208 = arith.constant 0 : i32
    %get3A_209 = arith.constant 0 : i32
    %get3A_210 = arith.index_cast %get3A_208 : i32 to index
    %get3A_211 = arith.index_cast %get3A_209 : i32 to index
    %get3A_212 = arith.constant 32 : index
    %get3A_213 = tpu.vector_load %arg6[%get3A_210, %get3A_211, %get3A_212] {strides = array<i32>} : memref<2x8x128xf32, #tpu.memory_space<vmem>>, vector<1x1x16xf32>,
    %get3A_214 = vector.shape_cast %get3A_213 : vector<1x1x16xf32> to vector<16xf32>
    %swap3A_215 = arith.constant 0 : i32
    %swap3A_216 = arith.index_cast %swap3A_215 : i32 to index
    %swap3A_217 = arith.constant 32 : index
    %swap3A_218 = tpu.vector_load %arg7[%swap3A_216, %swap3A_217] {strides = array<i32>} : memref<2x256xf32, #tpu.memory_space<vmem>>, vector<1x16xf32>,
    %swap3A_219 = vector.shape_cast %swap3A_218 : vector<1x16xf32> to vector<16xf32>
    %swap3A_220 = vector.shape_cast %get3A_214 : vector<16xf32> to vector<1x16xf32>
    tpu.vector_store %arg7[%swap3A_216, %swap3A_217], %swap3A_220 {strides = array<i32>} : memref<2x256xf32, #tpu.memory_space<vmem>>, vector<1x16xf32>,
    %mul3A_221 = arith.constant 2.000000e-01 : f32
    %mul3A_222 = vector.broadcast %mul3A_221 : f32 to vector<16xf32>
    %mul3A_223 = arith.mulf %add3A_207, %mul3A_222 : vector<16xf32>
    %swap3A_224 = arith.constant 0 : i32
    %swap3A_225 = arith.index_cast %swap3A_224 : i32 to index
    %swap3A_226 = arith.constant 160 : index
    %swap3A_227 = tpu.vector_load %arg7[%swap3A_225, %swap3A_226] {strides = array<i32>} : memref<2x256xf32, #tpu.memory_space<vmem>>, vector<1x16xf32>,
    %swap3A_228 = vector.shape_cast %swap3A_227 : vector<1x16xf32> to vector<16xf32>
    %swap3A_229 = vector.shape_cast %mul3A_223 : vector<16xf32> to vector<1x16xf32>
    tpu.vector_store %arg7[%swap3A_225, %swap3A_226], %swap3A_229 {strides = array<i32>} : memref<2x256xf32, #tpu.memory_space<vmem>>, vector<1x16xf32>,
    %get3A_230 = arith.constant 0 : i32
    %get3A_231 = arith.constant 1 : i32
    %get3A_232 = arith.index_cast %get3A_230 : i32 to index
    %get3A_233 = arith.index_cast %get3A_231 : i32 to index
    %get3A_234 = arith.constant 48 : index
    %get3A_235 = tpu.vector_load %arg6[%get3A_232, %get3A_233, %get3A_234] {strides = array<i32>} : memref<2x8x128xf32, #tpu.memory_space<vmem>>, vector<1x1x16xf32>,
    %get3A_236 = vector.shape_cast %get3A_235 : vector<1x1x16xf32> to vector<16xf32>
    %get3A_237 = arith.constant 0 : i32
    %get3A_238 = arith.constant 2 : i32
    %get3A_239 = arith.index_cast %get3A_237 : i32 to index
    %get3A_240 = arith.index_cast %get3A_238 : i32 to index
    %get3A_241 = arith.constant 48 : index
    %get3A_242 = tpu.vector_load %arg6[%get3A_239, %get3A_240, %get3A_241] {strides = array<i32>} : memref<2x8x128xf32, #tpu.memory_space<vmem>>, vector<1x1x16xf32>,
    %get3A_243 = vector.shape_cast %get3A_242 : vector<1x1x16xf32> to vector<16xf32>
    %add3A_244 = arith.addf %get3A_236, %get3A_243 : vector<16xf32>
    %get3A_245 = arith.constant 0 : i32
    %get3A_246 = arith.constant 3 : i32
    %get3A_247 = arith.index_cast %get3A_245 : i32 to index
    %get3A_248 = arith.index_cast %get3A_246 : i32 to index
    %get3A_249 = arith.constant 48 : index
    %get3A_250 = tpu.vector_load %arg6[%get3A_247, %get3A_248, %get3A_249] {strides = array<i32>} : memref<2x8x128xf32, #tpu.memory_space<vmem>>, vector<1x1x16xf32>,
    %get3A_251 = vector.shape_cast %get3A_250 : vector<1x1x16xf32> to vector<16xf32>
    %add3A_252 = arith.addf %add3A_244, %get3A_251 : vector<16xf32>
    %get3A_253 = arith.constant 0 : i32
    %get3A_254 = arith.constant 4 : i32
    %get3A_255 = arith.index_cast %get3A_253 : i32 to index
    %get3A_256 = arith.index_cast %get3A_254 : i32 to index
    %get3A_257 = arith.constant 48 : index
    %get3A_258 = tpu.vector_load %arg6[%get3A_255, %get3A_256, %get3A_257] {strides = array<i32>} : memref<2x8x128xf32, #tpu.memory_space<vmem>>, vector<1x1x16xf32>,
    %get3A_259 = vector.shape_cast %get3A_258 : vector<1x1x16xf32> to vector<16xf32>
    %add3A_260 = arith.addf %add3A_252, %get3A_259 : vector<16xf32>
    %get3A_261 = arith.constant 0 : i32
    %get3A_262 = arith.constant 5 : i32
    %get3A_263 = arith.index_cast %get3A_261 : i32 to index
    %get3A_264 = arith.index_cast %get3A_262 : i32 to index
    %get3A_265 = arith.constant 48 : index
    %get3A_266 = tpu.vector_load %arg6[%get3A_263, %get3A_264, %get3A_265] {strides = array<i32>} : memref<2x8x128xf32, #tpu.memory_space<vmem>>, vector<1x1x16xf32>,
    %get3A_267 = vector.shape_cast %get3A_266 : vector<1x1x16xf32> to vector<16xf32>
    %add3A_268 = arith.addf %add3A_260, %get3A_267 : vector<16xf32>
    %get3A_269 = arith.constant 0 : i32
    %get3A_270 = arith.constant 0 : i32
    %get3A_271 = arith.index_cast %get3A_269 : i32 to index
    %get3A_272 = arith.index_cast %get3A_270 : i32 to index
    %get3A_273 = arith.constant 48 : index
    %get3A_274 = tpu.vector_load %arg6[%get3A_271, %get3A_272, %get3A_273] {strides = array<i32>} : memref<2x8x128xf32, #tpu.memory_space<vmem>>, vector<1x1x16xf32>,
    %get3A_275 = vector.shape_cast %get3A_274 : vector<1x1x16xf32> to vector<16xf32>
    %swap3A_276 = arith.constant 0 : i32
    %swap3A_277 = arith.index_cast %swap3A_276 : i32 to index
    %swap3A_278 = arith.constant 48 : index
    %swap3A_279 = tpu.vector_load %arg7[%swap3A_277, %swap3A_278] {strides = array<i32>} : memref<2x256xf32, #tpu.memory_space<vmem>>, vector<1x16xf32>,
    %swap3A_280 = vector.shape_cast %swap3A_279 : vector<1x16xf32> to vector<16xf32>
    %swap3A_281 = vector.shape_cast %get3A_275 : vector<16xf32> to vector<1x16xf32>
    tpu.vector_store %arg7[%swap3A_277, %swap3A_278], %swap3A_281 {strides = array<i32>} : memref<2x256xf32, #tpu.memory_space<vmem>>, vector<1x16xf32>,
    %mul3A_282 = arith.constant 2.000000e-01 : f32
    %mul3A_283 = vector.broadcast %mul3A_282 : f32 to vector<16xf32>
    %mul3A_284 = arith.mulf %add3A_268, %mul3A_283 : vector<16xf32>
    %swap3A_285 = arith.constant 0 : i32
    %swap3A_286 = arith.index_cast %swap3A_285 : i32 to index
    %swap3A_287 = arith.constant 176 : index
    %swap3A_288 = tpu.vector_load %arg7[%swap3A_286, %swap3A_287] {strides = array<i32>} : memref<2x256xf32, #tpu.memory_space<vmem>>, vector<1x16xf32>,
    %swap3A_289 = vector.shape_cast %swap3A_288 : vector<1x16xf32> to vector<16xf32>
    %swap3A_290 = vector.shape_cast %mul3A_284 : vector<16xf32> to vector<1x16xf32>
    tpu.vector_store %arg7[%swap3A_286, %swap3A_287], %swap3A_290 {strides = array<i32>} : memref<2x256xf32, #tpu.memory_space<vmem>>, vector<1x16xf32>,
    %get3A_291 = arith.constant 0 : i32
    %get3A_292 = arith.constant 1 : i32
    %get3A_293 = arith.index_cast %get3A_291 : i32 to index
    %get3A_294 = arith.index_cast %get3A_292 : i32 to index
    %get3A_295 = arith.constant 64 : index
    %get3A_296 = tpu.vector_load %arg6[%get3A_293, %get3A_294, %get3A_295] {strides = array<i32>} : memref<2x8x128xf32, #tpu.memory_space<vmem>>, vector<1x1x16xf32>,
    %get3A_297 = vector.shape_cast %get3A_296 : vector<1x1x16xf32> to vector<16xf32>
    %get3A_298 = arith.constant 0 : i32
    %get3A_299 = arith.constant 2 : i32
    %get3A_300 = arith.index_cast %get3A_298 : i32 to index
    %get3A_301 = arith.index_cast %get3A_299 : i32 to index
    %get3A_302 = arith.constant 64 : index
    %get3A_303 = tpu.vector_load %arg6[%get3A_300, %get3A_301, %get3A_302] {strides = array<i32>} : memref<2x8x128xf32, #tpu.memory_space<vmem>>, vector<1x1x16xf32>,
    %get3A_304 = vector.shape_cast %get3A_303 : vector<1x1x16xf32> to vector<16xf32>
    %add3A_305 = arith.addf %get3A_297, %get3A_304 : vector<16xf32>
    %get3A_306 = arith.constant 0 : i32
    %get3A_307 = arith.constant 3 : i32
    %get3A_308 = arith.index_cast %get3A_306 : i32 to index
    %get3A_309 = arith.index_cast %get3A_307 : i32 to index
    %get3A_310 = arith.constant 64 : index
    %get3A_311 = tpu.vector_load %arg6[%get3A_308, %get3A_309, %get3A_310] {strides = array<i32>} : memref<2x8x128xf32, #tpu.memory_space<vmem>>, vector<1x1x16xf32>,
    %get3A_312 = vector.shape_cast %get3A_311 : vector<1x1x16xf32> to vector<16xf32>
    %add3A_313 = arith.addf %add3A_305, %get3A_312 : vector<16xf32>
    %get3A_314 = arith.constant 0 : i32
    %get3A_315 = arith.constant 4 : i32
    %get3A_316 = arith.index_cast %get3A_314 : i32 to index
    %get3A_317 = arith.index_cast %get3A_315 : i32 to index
    %get3A_318 = arith.constant 64 : index
    %get3A_319 = tpu.vector_load %arg6[%get3A_316, %get3A_317, %get3A_318] {strides = array<i32>} : memref<2x8x128xf32, #tpu.memory_space<vmem>>, vector<1x1x16xf32>,
    %get3A_320 = vector.shape_cast %get3A_319 : vector<1x1x16xf32> to vector<16xf32>
    %add3A_321 = arith.addf %add3A_313, %get3A_320 : vector<16xf32>
    %get3A_322 = arith.constant 0 : i32
    %get3A_323 = arith.constant 5 : i32
    %get3A_324 = arith.index_cast %get3A_322 : i32 to index
    %get3A_325 = arith.index_cast %get3A_323 : i32 to index
    %get3A_326 = arith.constant 64 : index
    %get3A_327 = tpu.vector_load %arg6[%get3A_324, %get3A_325, %get3A_326] {strides = array<i32>} : memref<2x8x128xf32, #tpu.memory_space<vmem>>, vector<1x1x16xf32>,
    %get3A_328 = vector.shape_cast %get3A_327 : vector<1x1x16xf32> to vector<16xf32>
    %add3A_329 = arith.addf %add3A_321, %get3A_328 : vector<16xf32>
    %get3A_330 = arith.constant 0 : i32
    %get3A_331 = arith.constant 0 : i32
    %get3A_332 = arith.index_cast %get3A_330 : i32 to index
    %get3A_333 = arith.index_cast %get3A_331 : i32 to index
    %get3A_334 = arith.constant 64 : index
    %get3A_335 = tpu.vector_load %arg6[%get3A_332, %get3A_333, %get3A_334] {strides = array<i32>} : memref<2x8x128xf32, #tpu.memory_space<vmem>>, vector<1x1x16xf32>,
    %get3A_336 = vector.shape_cast %get3A_335 : vector<1x1x16xf32> to vector<16xf32>
    %swap3A_337 = arith.constant 0 : i32
    %swap3A_338 = arith.index_cast %swap3A_337 : i32 to index
    %swap3A_339 = arith.constant 64 : index
    %swap3A_340 = tpu.vector_load %arg7[%swap3A_338, %swap3A_339] {strides = array<i32>} : memref<2x256xf32, #tpu.memory_space<vmem>>, vector<1x16xf32>,
    %swap3A_341 = vector.shape_cast %swap3A_340 : vector<1x16xf32> to vector<16xf32>
    %swap3A_342 = vector.shape_cast %get3A_336 : vector<16xf32> to vector<1x16xf32>
    tpu.vector_store %arg7[%swap3A_338, %swap3A_339], %swap3A_342 {strides = array<i32>} : memref<2x256xf32, #tpu.memory_space<vmem>>, vector<1x16xf32>,
    %mul3A_343 = arith.constant 2.000000e-01 : f32
    %mul3A_344 = vector.broadcast %mul3A_343 : f32 to vector<16xf32>
    %mul3A_345 = arith.mulf %add3A_329, %mul3A_344 : vector<16xf32>
    %swap3A_346 = arith.constant 0 : i32
    %swap3A_347 = arith.index_cast %swap3A_346 : i32 to index
    %swap3A_348 = arith.constant 192 : index
    %swap3A_349 = tpu.vector_load %arg7[%swap3A_347, %swap3A_348] {strides = array<i32>} : memref<2x256xf32, #tpu.memory_space<vmem>>, vector<1x16xf32>,
    %swap3A_350 = vector.shape_cast %swap3A_349 : vector<1x16xf32> to vector<16xf32>
    %swap3A_351 = vector.shape_cast %mul3A_345 : vector<16xf32> to vector<1x16xf32>
    tpu.vector_store %arg7[%swap3A_347, %swap3A_348], %swap3A_351 {strides = array<i32>} : memref<2x256xf32, #tpu.memory_space<vmem>>, vector<1x16xf32>,
    %get3A_352 = arith.constant 0 : i32
    %get3A_353 = arith.constant 1 : i32
    %get3A_354 = arith.index_cast %get3A_352 : i32 to index
    %get3A_355 = arith.index_cast %get3A_353 : i32 to index
    %get3A_356 = arith.constant 80 : index
    %get3A_357 = tpu.vector_load %arg6[%get3A_354, %get3A_355, %get3A_356] {strides = array<i32>} : memref<2x8x128xf32, #tpu.memory_space<vmem>>, vector<1x1x16xf32>,
    %get3A_358 = vector.shape_cast %get3A_357 : vector<1x1x16xf32> to vector<16xf32>
    %get3A_359 = arith.constant 0 : i32
    %get3A_360 = arith.constant 2 : i32
    %get3A_361 = arith.index_cast %get3A_359 : i32 to index
    %get3A_362 = arith.index_cast %get3A_360 : i32 to index
    %get3A_363 = arith.constant 80 : index
    %get3A_364 = tpu.vector_load %arg6[%get3A_361, %get3A_362, %get3A_363] {strides = array<i32>} : memref<2x8x128xf32, #tpu.memory_space<vmem>>, vector<1x1x16xf32>,
    %get3A_365 = vector.shape_cast %get3A_364 : vector<1x1x16xf32> to vector<16xf32>
    %add3A_366 = arith.addf %get3A_358, %get3A_365 : vector<16xf32>
    %get3A_367 = arith.constant 0 : i32
    %get3A_368 = arith.constant 3 : i32
    %get3A_369 = arith.index_cast %get3A_367 : i32 to index
    %get3A_370 = arith.index_cast %get3A_368 : i32 to index
    %get3A_371 = arith.constant 80 : index
    %get3A_372 = tpu.vector_load %arg6[%get3A_369, %get3A_370, %get3A_371] {strides = array<i32>} : memref<2x8x128xf32, #tpu.memory_space<vmem>>, vector<1x1x16xf32>,
    %get3A_373 = vector.shape_cast %get3A_372 : vector<1x1x16xf32> to vector<16xf32>
    %add3A_374 = arith.addf %add3A_366, %get3A_373 : vector<16xf32>
    %get3A_375 = arith.constant 0 : i32
    %get3A_376 = arith.constant 4 : i32
    %get3A_377 = arith.index_cast %get3A_375 : i32 to index
    %get3A_378 = arith.index_cast %get3A_376 : i32 to index
    %get3A_379 = arith.constant 80 : index
    %get3A_380 = tpu.vector_load %arg6[%get3A_377, %get3A_378, %get3A_379] {strides = array<i32>} : memref<2x8x128xf32, #tpu.memory_space<vmem>>, vector<1x1x16xf32>,
    %get3A_381 = vector.shape_cast %get3A_380 : vector<1x1x16xf32> to vector<16xf32>
    %add3A_382 = arith.addf %add3A_374, %get3A_381 : vector<16xf32>
    %get3A_383 = arith.constant 0 : i32
    %get3A_384 = arith.constant 5 : i32
    %get3A_385 = arith.index_cast %get3A_383 : i32 to index
    %get3A_386 = arith.index_cast %get3A_384 : i32 to index
    %get3A_387 = arith.constant 80 : index
    %get3A_388 = tpu.vector_load %arg6[%get3A_385, %get3A_386, %get3A_387] {strides = array<i32>} : memref<2x8x128xf32, #tpu.memory_space<vmem>>, vector<1x1x16xf32>,
    %get3A_389 = vector.shape_cast %get3A_388 : vector<1x1x16xf32> to vector<16xf32>
    %add3A_390 = arith.addf %add3A_382, %get3A_389 : vector<16xf32>
    %get3A_391 = arith.constant 0 : i32
    %get3A_392 = arith.constant 0 : i32
    %get3A_393 = arith.index_cast %get3A_391 : i32 to index
    %get3A_394 = arith.index_cast %get3A_392 : i32 to index
    %get3A_395 = arith.constant 80 : index
    %get3A_396 = tpu.vector_load %arg6[%get3A_393, %get3A_394, %get3A_395] {strides = array<i32>} : memref<2x8x128xf32, #tpu.memory_space<vmem>>, vector<1x1x16xf32>,
    %get3A_397 = vector.shape_cast %get3A_396 : vector<1x1x16xf32> to vector<16xf32>
    %swap3A_398 = arith.constant 0 : i32
    %swap3A_399 = arith.index_cast %swap3A_398 : i32 to index
    %swap3A_400 = arith.constant 80 : index
    %swap3A_401 = tpu.vector_load %arg7[%swap3A_399, %swap3A_400] {strides = array<i32>} : memref<2x256xf32, #tpu.memory_space<vmem>>, vector<1x16xf32>,
    %swap3A_402 = vector.shape_cast %swap3A_401 : vector<1x16xf32> to vector<16xf32>
    %swap3A_403 = vector.shape_cast %get3A_397 : vector<16xf32> to vector<1x16xf32>
    tpu.vector_store %arg7[%swap3A_399, %swap3A_400], %swap3A_403 {strides = array<i32>} : memref<2x256xf32, #tpu.memory_space<vmem>>, vector<1x16xf32>,
    %mul3A_404 = arith.constant 2.000000e-01 : f32
    %mul3A_405 = vector.broadcast %mul3A_404 : f32 to vector<16xf32>
    %mul3A_406 = arith.mulf %add3A_390, %mul3A_405 : vector<16xf32>
    %swap3A_407 = arith.constant 0 : i32
    %swap3A_408 = arith.index_cast %swap3A_407 : i32 to index
    %swap3A_409 = arith.constant 208 : index
    %swap3A_410 = tpu.vector_load %arg7[%swap3A_408, %swap3A_409] {strides = array<i32>} : memref<2x256xf32, #tpu.memory_space<vmem>>, vector<1x16xf32>,
    %swap3A_411 = vector.shape_cast %swap3A_410 : vector<1x16xf32> to vector<16xf32>
    %swap3A_412 = vector.shape_cast %mul3A_406 : vector<16xf32> to vector<1x16xf32>
    tpu.vector_store %arg7[%swap3A_408, %swap3A_409], %swap3A_412 {strides = array<i32>} : memref<2x256xf32, #tpu.memory_space<vmem>>, vector<1x16xf32>,
    %get3A_413 = arith.constant 0 : i32
    %get3A_414 = arith.constant 1 : i32
    %get3A_415 = arith.index_cast %get3A_413 : i32 to index
    %get3A_416 = arith.index_cast %get3A_414 : i32 to index
    %get3A_417 = arith.constant 96 : index
    %get3A_418 = tpu.vector_load %arg6[%get3A_415, %get3A_416, %get3A_417] {strides = array<i32>} : memref<2x8x128xf32, #tpu.memory_space<vmem>>, vector<1x1x16xf32>,
    %get3A_419 = vector.shape_cast %get3A_418 : vector<1x1x16xf32> to vector<16xf32>
    %get3A_420 = arith.constant 0 : i32
    %get3A_421 = arith.constant 2 : i32
    %get3A_422 = arith.index_cast %get3A_420 : i32 to index
    %get3A_423 = arith.index_cast %get3A_421 : i32 to index
    %get3A_424 = arith.constant 96 : index
    %get3A_425 = tpu.vector_load %arg6[%get3A_422, %get3A_423, %get3A_424] {strides = array<i32>} : memref<2x8x128xf32, #tpu.memory_space<vmem>>, vector<1x1x16xf32>,
    %get3A_426 = vector.shape_cast %get3A_425 : vector<1x1x16xf32> to vector<16xf32>
    %add3A_427 = arith.addf %get3A_419, %get3A_426 : vector<16xf32>
    %get3A_428 = arith.constant 0 : i32
    %get3A_429 = arith.constant 3 : i32
    %get3A_430 = arith.index_cast %get3A_428 : i32 to index
    %get3A_431 = arith.index_cast %get3A_429 : i32 to index
    %get3A_432 = arith.constant 96 : index
    %get3A_433 = tpu.vector_load %arg6[%get3A_430, %get3A_431, %get3A_432] {strides = array<i32>} : memref<2x8x128xf32, #tpu.memory_space<vmem>>, vector<1x1x16xf32>,
    %get3A_434 = vector.shape_cast %get3A_433 : vector<1x1x16xf32> to vector<16xf32>
    %add3A_435 = arith.addf %add3A_427, %get3A_434 : vector<16xf32>
    %get3A_436 = arith.constant 0 : i32
    %get3A_437 = arith.constant 4 : i32
    %get3A_438 = arith.index_cast %get3A_436 : i32 to index
    %get3A_439 = arith.index_cast %get3A_437 : i32 to index
    %get3A_440 = arith.constant 96 : index
    %get3A_441 = tpu.vector_load %arg6[%get3A_438, %get3A_439, %get3A_440] {strides = array<i32>} : memref<2x8x128xf32, #tpu.memory_space<vmem>>, vector<1x1x16xf32>,
    %get3A_442 = vector.shape_cast %get3A_441 : vector<1x1x16xf32> to vector<16xf32>
    %add3A_443 = arith.addf %add3A_435, %get3A_442 : vector<16xf32>
    %get3A_444 = arith.constant 0 : i32
    %get3A_445 = arith.constant 5 : i32
    %get3A_446 = arith.index_cast %get3A_444 : i32 to index
    %get3A_447 = arith.index_cast %get3A_445 : i32 to index
    %get3A_448 = arith.constant 96 : index
    %get3A_449 = tpu.vector_load %arg6[%get3A_446, %get3A_447, %get3A_448] {strides = array<i32>} : memref<2x8x128xf32, #tpu.memory_space<vmem>>, vector<1x1x16xf32>,
    %get3A_450 = vector.shape_cast %get3A_449 : vector<1x1x16xf32> to vector<16xf32>
    %add3A_451 = arith.addf %add3A_443, %get3A_450 : vector<16xf32>
    %get3A_452 = arith.constant 0 : i32
    %get3A_453 = arith.constant 0 : i32
    %get3A_454 = arith.index_cast %get3A_452 : i32 to index
    %get3A_455 = arith.index_cast %get3A_453 : i32 to index
    %get3A_456 = arith.constant 96 : index
    %get3A_457 = tpu.vector_load %arg6[%get3A_454, %get3A_455, %get3A_456] {strides = array<i32>} : memref<2x8x128xf32, #tpu.memory_space<vmem>>, vector<1x1x16xf32>,
    %get3A_458 = vector.shape_cast %get3A_457 : vector<1x1x16xf32> to vector<16xf32>
    %swap3A_459 = arith.constant 0 : i32
    %swap3A_460 = arith.index_cast %swap3A_459 : i32 to index
    %swap3A_461 = arith.constant 96 : index
    %swap3A_462 = tpu.vector_load %arg7[%swap3A_460, %swap3A_461] {strides = array<i32>} : memref<2x256xf32, #tpu.memory_space<vmem>>, vector<1x16xf32>,
    %swap3A_463 = vector.shape_cast %swap3A_462 : vector<1x16xf32> to vector<16xf32>
    %swap3A_464 = vector.shape_cast %get3A_458 : vector<16xf32> to vector<1x16xf32>
    tpu.vector_store %arg7[%swap3A_460, %swap3A_461], %swap3A_464 {strides = array<i32>} : memref<2x256xf32, #tpu.memory_space<vmem>>, vector<1x16xf32>,
    %mul3A_465 = arith.constant 2.000000e-01 : f32
    %mul3A_466 = vector.broadcast %mul3A_465 : f32 to vector<16xf32>
    %mul3A_467 = arith.mulf %add3A_451, %mul3A_466 : vector<16xf32>
    %swap3A_468 = arith.constant 0 : i32
    %swap3A_469 = arith.index_cast %swap3A_468 : i32 to index
    %swap3A_470 = arith.constant 224 : index
    %swap3A_471 = tpu.vector_load %arg7[%swap3A_469, %swap3A_470] {strides = array<i32>} : memref<2x256xf32, #tpu.memory_space<vmem>>, vector<1x16xf32>,
    %swap3A_472 = vector.shape_cast %swap3A_471 : vector<1x16xf32> to vector<16xf32>
    %swap3A_473 = vector.shape_cast %mul3A_467 : vector<16xf32> to vector<1x16xf32>
    tpu.vector_store %arg7[%swap3A_469, %swap3A_470], %swap3A_473 {strides = array<i32>} : memref<2x256xf32, #tpu.memory_space<vmem>>, vector<1x16xf32>,
    %get3A_474 = arith.constant 0 : i32
    %get3A_475 = arith.constant 1 : i32
    %get3A_476 = arith.index_cast %get3A_474 : i32 to index
    %get3A_477 = arith.index_cast %get3A_475 : i32 to index
    %get3A_478 = arith.constant 112 : index
    %get3A_479 = tpu.vector_load %arg6[%get3A_476, %get3A_477, %get3A_478] {strides = array<i32>} : memref<2x8x128xf32, #tpu.memory_space<vmem>>, vector<1x1x16xf32>,
    %get3A_480 = vector.shape_cast %get3A_479 : vector<1x1x16xf32> to vector<16xf32>
    %get3A_481 = arith.constant 0 : i32
    %get3A_482 = arith.constant 2 : i32
    %get3A_483 = arith.index_cast %get3A_481 : i32 to index
    %get3A_484 = arith.index_cast %get3A_482 : i32 to index
    %get3A_485 = arith.constant 112 : index
    %get3A_486 = tpu.vector_load %arg6[%get3A_483, %get3A_484, %get3A_485] {strides = array<i32>} : memref<2x8x128xf32, #tpu.memory_space<vmem>>, vector<1x1x16xf32>,
    %get3A_487 = vector.shape_cast %get3A_486 : vector<1x1x16xf32> to vector<16xf32>
    %add3A_488 = arith.addf %get3A_480, %get3A_487 : vector<16xf32>
    %get3A_489 = arith.constant 0 : i32
    %get3A_490 = arith.constant 3 : i32
    %get3A_491 = arith.index_cast %get3A_489 : i32 to index
    %get3A_492 = arith.index_cast %get3A_490 : i32 to index
    %get3A_493 = arith.constant 112 : index
    %get3A_494 = tpu.vector_load %arg6[%get3A_491, %get3A_492, %get3A_493] {strides = array<i32>} : memref<2x8x128xf32, #tpu.memory_space<vmem>>, vector<1x1x16xf32>,
    %get3A_495 = vector.shape_cast %get3A_494 : vector<1x1x16xf32> to vector<16xf32>
    %add3A_496 = arith.addf %add3A_488, %get3A_495 : vector<16xf32>
    %get3A_497 = arith.constant 0 : i32
    %get3A_498 = arith.constant 4 : i32
    %get3A_499 = arith.index_cast %get3A_497 : i32 to index
    %get3A_500 = arith.index_cast %get3A_498 : i32 to index
    %get3A_501 = arith.constant 112 : index
    %get3A_502 = tpu.vector_load %arg6[%get3A_499, %get3A_500, %get3A_501] {strides = array<i32>} : memref<2x8x128xf32, #tpu.memory_space<vmem>>, vector<1x1x16xf32>,
    %get3A_503 = vector.shape_cast %get3A_502 : vector<1x1x16xf32> to vector<16xf32>
    %add3A_504 = arith.addf %add3A_496, %get3A_503 : vector<16xf32>
    %get3A_505 = arith.constant 0 : i32
    %get3A_506 = arith.constant 5 : i32
    %get3A_507 = arith.index_cast %get3A_505 : i32 to index
    %get3A_508 = arith.index_cast %get3A_506 : i32 to index
    %get3A_509 = arith.constant 112 : index
    %get3A_510 = tpu.vector_load %arg6[%get3A_507, %get3A_508, %get3A_509] {strides = array<i32>} : memref<2x8x128xf32, #tpu.memory_space<vmem>>, vector<1x1x16xf32>,
    %get3A_511 = vector.shape_cast %get3A_510 : vector<1x1x16xf32> to vector<16xf32>
    %add3A_512 = arith.addf %add3A_504, %get3A_511 : vector<16xf32>
    %get3A_513 = arith.constant 0 : i32
    %get3A_514 = arith.constant 0 : i32
    %get3A_515 = arith.index_cast %get3A_513 : i32 to index
    %get3A_516 = arith.index_cast %get3A_514 : i32 to index
    %get3A_517 = arith.constant 112 : index
    %get3A_518 = tpu.vector_load %arg6[%get3A_515, %get3A_516, %get3A_517] {strides = array<i32>} : memref<2x8x128xf32, #tpu.memory_space<vmem>>, vector<1x1x16xf32>,
    %get3A_519 = vector.shape_cast %get3A_518 : vector<1x1x16xf32> to vector<16xf32>
    %swap3A_520 = arith.constant 0 : i32
    %swap3A_521 = arith.index_cast %swap3A_520 : i32 to index
    %swap3A_522 = arith.constant 112 : index
    %swap3A_523 = tpu.vector_load %arg7[%swap3A_521, %swap3A_522] {strides = array<i32>} : memref<2x256xf32, #tpu.memory_space<vmem>>, vector<1x16xf32>,
    %swap3A_524 = vector.shape_cast %swap3A_523 : vector<1x16xf32> to vector<16xf32>
    %swap3A_525 = vector.shape_cast %get3A_519 : vector<16xf32> to vector<1x16xf32>
    tpu.vector_store %arg7[%swap3A_521, %swap3A_522], %swap3A_525 {strides = array<i32>} : memref<2x256xf32, #tpu.memory_space<vmem>>, vector<1x16xf32>,
    %mul3A_526 = arith.constant 2.000000e-01 : f32
    %mul3A_527 = vector.broadcast %mul3A_526 : f32 to vector<16xf32>
    %mul3A_528 = arith.mulf %add3A_512, %mul3A_527 : vector<16xf32>
    %swap3A_529 = arith.constant 0 : i32
    %swap3A_530 = arith.index_cast %swap3A_529 : i32 to index
    %swap3A_531 = arith.constant 240 : index
    %swap3A_532 = tpu.vector_load %arg7[%swap3A_530, %swap3A_531] {strides = array<i32>} : memref<2x256xf32, #tpu.memory_space<vmem>>, vector<1x16xf32>,
    %swap3A_533 = vector.shape_cast %swap3A_532 : vector<1x16xf32> to vector<16xf32>
    %swap3A_534 = vector.shape_cast %mul3A_528 : vector<16xf32> to vector<1x16xf32>
    tpu.vector_store %arg7[%swap3A_530, %swap3A_531], %swap3A_534 {strides = array<i32>} : memref<2x256xf32, #tpu.memory_space<vmem>>, vector<1x16xf32>,
    %get3A_535 = arith.constant 1 : i32
    %get3A_536 = arith.constant 1 : i32
    %get3A_537 = arith.index_cast %get3A_535 : i32 to index
    %get3A_538 = arith.index_cast %get3A_536 : i32 to index
    %get3A_539 = arith.constant 0 : index
    %get3A_540 = tpu.vector_load %arg6[%get3A_537, %get3A_538, %get3A_539] {strides = array<i32>} : memref<2x8x128xf32, #tpu.memory_space<vmem>>, vector<1x1x16xf32>,
    %get3A_541 = vector.shape_cast %get3A_540 : vector<1x1x16xf32> to vector<16xf32>
    %get3A_542 = arith.constant 1 : i32
    %get3A_543 = arith.constant 2 : i32
    %get3A_544 = arith.index_cast %get3A_542 : i32 to index
    %get3A_545 = arith.index_cast %get3A_543 : i32 to index
    %get3A_546 = arith.constant 0 : index
    %get3A_547 = tpu.vector_load %arg6[%get3A_544, %get3A_545, %get3A_546] {strides = array<i32>} : memref<2x8x128xf32, #tpu.memory_space<vmem>>, vector<1x1x16xf32>,
    %get3A_548 = vector.shape_cast %get3A_547 : vector<1x1x16xf32> to vector<16xf32>
    %add3A_549 = arith.addf %get3A_541, %get3A_548 : vector<16xf32>
    %get3A_550 = arith.constant 1 : i32
    %get3A_551 = arith.constant 3 : i32
    %get3A_552 = arith.index_cast %get3A_550 : i32 to index
    %get3A_553 = arith.index_cast %get3A_551 : i32 to index
    %get3A_554 = arith.constant 0 : index
    %get3A_555 = tpu.vector_load %arg6[%get3A_552, %get3A_553, %get3A_554] {strides = array<i32>} : memref<2x8x128xf32, #tpu.memory_space<vmem>>, vector<1x1x16xf32>,
    %get3A_556 = vector.shape_cast %get3A_555 : vector<1x1x16xf32> to vector<16xf32>
    %add3A_557 = arith.addf %add3A_549, %get3A_556 : vector<16xf32>
    %get3A_558 = arith.constant 1 : i32
    %get3A_559 = arith.constant 4 : i32
    %get3A_560 = arith.index_cast %get3A_558 : i32 to index
    %get3A_561 = arith.index_cast %get3A_559 : i32 to index
    %get3A_562 = arith.constant 0 : index
    %get3A_563 = tpu.vector_load %arg6[%get3A_560, %get3A_561, %get3A_562] {strides = array<i32>} : memref<2x8x128xf32, #tpu.memory_space<vmem>>, vector<1x1x16xf32>,
    %get3A_564 = vector.shape_cast %get3A_563 : vector<1x1x16xf32> to vector<16xf32>
    %add3A_565 = arith.addf %add3A_557, %get3A_564 : vector<16xf32>
    %get3A_566 = arith.constant 1 : i32
    %get3A_567 = arith.constant 5 : i32
    %get3A_568 = arith.index_cast %get3A_566 : i32 to index
    %get3A_569 = arith.index_cast %get3A_567 : i32 to index
    %get3A_570 = arith.constant 0 : index
    %get3A_571 = tpu.vector_load %arg6[%get3A_568, %get3A_569, %get3A_570] {strides = array<i32>} : memref<2x8x128xf32, #tpu.memory_space<vmem>>, vector<1x1x16xf32>,
    %get3A_572 = vector.shape_cast %get3A_571 : vector<1x1x16xf32> to vector<16xf32>
    %add3A_573 = arith.addf %add3A_565, %get3A_572 : vector<16xf32>
    %get3A_574 = arith.constant 1 : i32
    %get3A_575 = arith.constant 0 : i32
    %get3A_576 = arith.index_cast %get3A_574 : i32 to index
    %get3A_577 = arith.index_cast %get3A_575 : i32 to index
    %get3A_578 = arith.constant 0 : index
    %get3A_579 = tpu.vector_load %arg6[%get3A_576, %get3A_577, %get3A_578] {strides = array<i32>} : memref<2x8x128xf32, #tpu.memory_space<vmem>>, vector<1x1x16xf32>,
    %get3A_580 = vector.shape_cast %get3A_579 : vector<1x1x16xf32> to vector<16xf32>
    %swap3A_581 = arith.constant 1 : i32
    %swap3A_582 = arith.index_cast %swap3A_581 : i32 to index
    %swap3A_583 = arith.constant 0 : index
    %swap3A_584 = tpu.vector_load %arg7[%swap3A_582, %swap3A_583] {strides = array<i32>} : memref<2x256xf32, #tpu.memory_space<vmem>>, vector<1x16xf32>,
    %swap3A_585 = vector.shape_cast %swap3A_584 : vector<1x16xf32> to vector<16xf32>
    %swap3A_586 = vector.shape_cast %get3A_580 : vector<16xf32> to vector<1x16xf32>
    tpu.vector_store %arg7[%swap3A_582, %swap3A_583], %swap3A_586 {strides = array<i32>} : memref<2x256xf32, #tpu.memory_space<vmem>>, vector<1x16xf32>,
    %mul3A_587 = arith.constant 2.000000e-01 : f32
    %mul3A_588 = vector.broadcast %mul3A_587 : f32 to vector<16xf32>
    %mul3A_589 = arith.mulf %add3A_573, %mul3A_588 : vector<16xf32>
    %swap3A_590 = arith.constant 1 : i32
    %swap3A_591 = arith.index_cast %swap3A_590 : i32 to index
    %swap3A_592 = arith.constant 128 : index
    %swap3A_593 = tpu.vector_load %arg7[%swap3A_591, %swap3A_592] {strides = array<i32>} : memref<2x256xf32, #tpu.memory_space<vmem>>, vector<1x16xf32>,
    %swap3A_594 = vector.shape_cast %swap3A_593 : vector<1x16xf32> to vector<16xf32>
    %swap3A_595 = vector.shape_cast %mul3A_589 : vector<16xf32> to vector<1x16xf32>
    tpu.vector_store %arg7[%swap3A_591, %swap3A_592], %swap3A_595 {strides = array<i32>} : memref<2x256xf32, #tpu.memory_space<vmem>>, vector<1x16xf32>,
    %get3A_596 = arith.constant 1 : i32
    %get3A_597 = arith.constant 1 : i32
    %get3A_598 = arith.index_cast %get3A_596 : i32 to index
    %get3A_599 = arith.index_cast %get3A_597 : i32 to index
    %get3A_600 = arith.constant 16 : index
    %get3A_601 = tpu.vector_load %arg6[%get3A_598, %get3A_599, %get3A_600] {strides = array<i32>} : memref<2x8x128xf32, #tpu.memory_space<vmem>>, vector<1x1x16xf32>,
    %get3A_602 = vector.shape_cast %get3A_601 : vector<1x1x16xf32> to vector<16xf32>
    %get3A_603 = arith.constant 1 : i32
    %get3A_604 = arith.constant 2 : i32
    %get3A_605 = arith.index_cast %get3A_603 : i32 to index
    %get3A_606 = arith.index_cast %get3A_604 : i32 to index
    %get3A_607 = arith.constant 16 : index
    %get3A_608 = tpu.vector_load %arg6[%get3A_605, %get3A_606, %get3A_607] {strides = array<i32>} : memref<2x8x128xf32, #tpu.memory_space<vmem>>, vector<1x1x16xf32>,
    %get3A_609 = vector.shape_cast %get3A_608 : vector<1x1x16xf32> to vector<16xf32>
    %add3A_610 = arith.addf %get3A_602, %get3A_609 : vector<16xf32>
    %get3A_611 = arith.constant 1 : i32
    %get3A_612 = arith.constant 3 : i32
    %get3A_613 = arith.index_cast %get3A_611 : i32 to index
    %get3A_614 = arith.index_cast %get3A_612 : i32 to index
    %get3A_615 = arith.constant 16 : index
    %get3A_616 = tpu.vector_load %arg6[%get3A_613, %get3A_614, %get3A_615] {strides = array<i32>} : memref<2x8x128xf32, #tpu.memory_space<vmem>>, vector<1x1x16xf32>,
    %get3A_617 = vector.shape_cast %get3A_616 : vector<1x1x16xf32> to vector<16xf32>
    %add3A_618 = arith.addf %add3A_610, %get3A_617 : vector<16xf32>
    %get3A_619 = arith.constant 1 : i32
    %get3A_620 = arith.constant 4 : i32
    %get3A_621 = arith.index_cast %get3A_619 : i32 to index
    %get3A_622 = arith.index_cast %get3A_620 : i32 to index
    %get3A_623 = arith.constant 16 : index
    %get3A_624 = tpu.vector_load %arg6[%get3A_621, %get3A_622, %get3A_623] {strides = array<i32>} : memref<2x8x128xf32, #tpu.memory_space<vmem>>, vector<1x1x16xf32>,
    %get3A_625 = vector.shape_cast %get3A_624 : vector<1x1x16xf32> to vector<16xf32>
    %add3A_626 = arith.addf %add3A_618, %get3A_625 : vector<16xf32>
    %get3A_627 = arith.constant 1 : i32
    %get3A_628 = arith.constant 5 : i32
    %get3A_629 = arith.index_cast %get3A_627 : i32 to index
    %get3A_630 = arith.index_cast %get3A_628 : i32 to index
    %get3A_631 = arith.constant 16 : index
    %get3A_632 = tpu.vector_load %arg6[%get3A_629, %get3A_630, %get3A_631] {strides = array<i32>} : memref<2x8x128xf32, #tpu.memory_space<vmem>>, vector<1x1x16xf32>,
    %get3A_633 = vector.shape_cast %get3A_632 : vector<1x1x16xf32> to vector<16xf32>
    %add3A_634 = arith.addf %add3A_626, %get3A_633 : vector<16xf32>
    %get3A_635 = arith.constant 1 : i32
    %get3A_636 = arith.constant 0 : i32
    %get3A_637 = arith.index_cast %get3A_635 : i32 to index
    %get3A_638 = arith.index_cast %get3A_636 : i32 to index
    %get3A_639 = arith.constant 16 : index
    %get3A_640 = tpu.vector_load %arg6[%get3A_637, %get3A_638, %get3A_639] {strides = array<i32>} : memref<2x8x128xf32, #tpu.memory_space<vmem>>, vector<1x1x16xf32>,
    %get3A_641 = vector.shape_cast %get3A_640 : vector<1x1x16xf32> to vector<16xf32>
    %swap3A_642 = arith.constant 1 : i32
    %swap3A_643 = arith.index_cast %swap3A_642 : i32 to index
    %swap3A_644 = arith.constant 16 : index
    %swap3A_645 = tpu.vector_load %arg7[%swap3A_643, %swap3A_644] {strides = array<i32>} : memref<2x256xf32, #tpu.memory_space<vmem>>, vector<1x16xf32>,
    %swap3A_646 = vector.shape_cast %swap3A_645 : vector<1x16xf32> to vector<16xf32>
    %swap3A_647 = vector.shape_cast %get3A_641 : vector<16xf32> to vector<1x16xf32>
    tpu.vector_store %arg7[%swap3A_643, %swap3A_644], %swap3A_647 {strides = array<i32>} : memref<2x256xf32, #tpu.memory_space<vmem>>, vector<1x16xf32>,
    %mul3A_648 = arith.constant 2.000000e-01 : f32
    %mul3A_649 = vector.broadcast %mul3A_648 : f32 to vector<16xf32>
    %mul3A_650 = arith.mulf %add3A_634, %mul3A_649 : vector<16xf32>
    %swap3A_651 = arith.constant 1 : i32
    %swap3A_652 = arith.index_cast %swap3A_651 : i32 to index
    %swap3A_653 = arith.constant 144 : index
    %swap3A_654 = tpu.vector_load %arg7[%swap3A_652, %swap3A_653] {strides = array<i32>} : memref<2x256xf32, #tpu.memory_space<vmem>>, vector<1x16xf32>,
    %swap3A_655 = vector.shape_cast %swap3A_654 : vector<1x16xf32> to vector<16xf32>
    %swap3A_656 = vector.shape_cast %mul3A_650 : vector<16xf32> to vector<1x16xf32>
    tpu.vector_store %arg7[%swap3A_652, %swap3A_653], %swap3A_656 {strides = array<i32>} : memref<2x256xf32, #tpu.memory_space<vmem>>, vector<1x16xf32>,
    %get3A_657 = arith.constant 1 : i32
    %get3A_658 = arith.constant 1 : i32
    %get3A_659 = arith.index_cast %get3A_657 : i32 to index
    %get3A_660 = arith.index_cast %get3A_658 : i32 to index
    %get3A_661 = arith.constant 32 : index
    %get3A_662 = tpu.vector_load %arg6[%get3A_659, %get3A_660, %get3A_661] {strides = array<i32>} : memref<2x8x128xf32, #tpu.memory_space<vmem>>, vector<1x1x16xf32>,
    %get3A_663 = vector.shape_cast %get3A_662 : vector<1x1x16xf32> to vector<16xf32>
    %get3A_664 = arith.constant 1 : i32
    %get3A_665 = arith.constant 2 : i32
    %get3A_666 = arith.index_cast %get3A_664 : i32 to index
    %get3A_667 = arith.index_cast %get3A_665 : i32 to index
    %get3A_668 = arith.constant 32 : index
    %get3A_669 = tpu.vector_load %arg6[%get3A_666, %get3A_667, %get3A_668] {strides = array<i32>} : memref<2x8x128xf32, #tpu.memory_space<vmem>>, vector<1x1x16xf32>,
    %get3A_670 = vector.shape_cast %get3A_669 : vector<1x1x16xf32> to vector<16xf32>
    %add3A_671 = arith.addf %get3A_663, %get3A_670 : vector<16xf32>
    %get3A_672 = arith.constant 1 : i32
    %get3A_673 = arith.constant 3 : i32
    %get3A_674 = arith.index_cast %get3A_672 : i32 to index
    %get3A_675 = arith.index_cast %get3A_673 : i32 to index
    %get3A_676 = arith.constant 32 : index
    %get3A_677 = tpu.vector_load %arg6[%get3A_674, %get3A_675, %get3A_676] {strides = array<i32>} : memref<2x8x128xf32, #tpu.memory_space<vmem>>, vector<1x1x16xf32>,
    %get3A_678 = vector.shape_cast %get3A_677 : vector<1x1x16xf32> to vector<16xf32>
    %add3A_679 = arith.addf %add3A_671, %get3A_678 : vector<16xf32>
    %get3A_680 = arith.constant 1 : i32
    %get3A_681 = arith.constant 4 : i32
    %get3A_682 = arith.index_cast %get3A_680 : i32 to index
    %get3A_683 = arith.index_cast %get3A_681 : i32 to index
    %get3A_684 = arith.constant 32 : index
    %get3A_685 = tpu.vector_load %arg6[%get3A_682, %get3A_683, %get3A_684] {strides = array<i32>} : memref<2x8x128xf32, #tpu.memory_space<vmem>>, vector<1x1x16xf32>,
    %get3A_686 = vector.shape_cast %get3A_685 : vector<1x1x16xf32> to vector<16xf32>
    %add3A_687 = arith.addf %add3A_679, %get3A_686 : vector<16xf32>
    %get3A_688 = arith.constant 1 : i32
    %get3A_689 = arith.constant 5 : i32
    %get3A_690 = arith.index_cast %get3A_688 : i32 to index
    %get3A_691 = arith.index_cast %get3A_689 : i32 to index
    %get3A_692 = arith.constant 32 : index
    %get3A_693 = tpu.vector_load %arg6[%get3A_690, %get3A_691, %get3A_692] {strides = array<i32>} : memref<2x8x128xf32, #tpu.memory_space<vmem>>, vector<1x1x16xf32>,
    %get3A_694 = vector.shape_cast %get3A_693 : vector<1x1x16xf32> to vector<16xf32>
    %add3A_695 = arith.addf %add3A_687, %get3A_694 : vector<16xf32>
    %get3A_696 = arith.constant 1 : i32
    %get3A_697 = arith.constant 0 : i32
    %get3A_698 = arith.index_cast %get3A_696 : i32 to index
    %get3A_699 = arith.index_cast %get3A_697 : i32 to index
    %get3A_700 = arith.constant 32 : index
    %get3A_701 = tpu.vector_load %arg6[%get3A_698, %get3A_699, %get3A_700] {strides = array<i32>} : memref<2x8x128xf32, #tpu.memory_space<vmem>>, vector<1x1x16xf32>,
    %get3A_702 = vector.shape_cast %get3A_701 : vector<1x1x16xf32> to vector<16xf32>
    %swap3A_703 = arith.constant 1 : i32
    %swap3A_704 = arith.index_cast %swap3A_703 : i32 to index
    %swap3A_705 = arith.constant 32 : index
    %swap3A_706 = tpu.vector_load %arg7[%swap3A_704, %swap3A_705] {strides = array<i32>} : memref<2x256xf32, #tpu.memory_space<vmem>>, vector<1x16xf32>,
    %swap3A_707 = vector.shape_cast %swap3A_706 : vector<1x16xf32> to vector<16xf32>
    %swap3A_708 = vector.shape_cast %get3A_702 : vector<16xf32> to vector<1x16xf32>
    tpu.vector_store %arg7[%swap3A_704, %swap3A_705], %swap3A_708 {strides = array<i32>} : memref<2x256xf32, #tpu.memory_space<vmem>>, vector<1x16xf32>,
    %mul3A_709 = arith.constant 2.000000e-01 : f32
    %mul3A_710 = vector.broadcast %mul3A_709 : f32 to vector<16xf32>
    %mul3A_711 = arith.mulf %add3A_695, %mul3A_710 : vector<16xf32>
    %swap3A_712 = arith.constant 1 : i32
    %swap3A_713 = arith.index_cast %swap3A_712 : i32 to index
    %swap3A_714 = arith.constant 160 : index
    %swap3A_715 = tpu.vector_load %arg7[%swap3A_713, %swap3A_714] {strides = array<i32>} : memref<2x256xf32, #tpu.memory_space<vmem>>, vector<1x16xf32>,
    %swap3A_716 = vector.shape_cast %swap3A_715 : vector<1x16xf32> to vector<16xf32>
    %swap3A_717 = vector.shape_cast %mul3A_711 : vector<16xf32> to vector<1x16xf32>
    tpu.vector_store %arg7[%swap3A_713, %swap3A_714], %swap3A_717 {strides = array<i32>} : memref<2x256xf32, #tpu.memory_space<vmem>>, vector<1x16xf32>,
    %get3A_718 = arith.constant 1 : i32
    %get3A_719 = arith.constant 1 : i32
    %get3A_720 = arith.index_cast %get3A_718 : i32 to index
    %get3A_721 = arith.index_cast %get3A_719 : i32 to index
    %get3A_722 = arith.constant 48 : index
    %get3A_723 = tpu.vector_load %arg6[%get3A_720, %get3A_721, %get3A_722] {strides = array<i32>} : memref<2x8x128xf32, #tpu.memory_space<vmem>>, vector<1x1x16xf32>,
    %get3A_724 = vector.shape_cast %get3A_723 : vector<1x1x16xf32> to vector<16xf32>
    %get3A_725 = arith.constant 1 : i32
    %get3A_726 = arith.constant 2 : i32
    %get3A_727 = arith.index_cast %get3A_725 : i32 to index
    %get3A_728 = arith.index_cast %get3A_726 : i32 to index
    %get3A_729 = arith.constant 48 : index
    %get3A_730 = tpu.vector_load %arg6[%get3A_727, %get3A_728, %get3A_729] {strides = array<i32>} : memref<2x8x128xf32, #tpu.memory_space<vmem>>, vector<1x1x16xf32>,
    %get3A_731 = vector.shape_cast %get3A_730 : vector<1x1x16xf32> to vector<16xf32>
    %add3A_732 = arith.addf %get3A_724, %get3A_731 : vector<16xf32>
    %get3A_733 = arith.constant 1 : i32
    %get3A_734 = arith.constant 3 : i32
    %get3A_735 = arith.index_cast %get3A_733 : i32 to index
    %get3A_736 = arith.index_cast %get3A_734 : i32 to index
    %get3A_737 = arith.constant 48 : index
    %get3A_738 = tpu.vector_load %arg6[%get3A_735, %get3A_736, %get3A_737] {strides = array<i32>} : memref<2x8x128xf32, #tpu.memory_space<vmem>>, vector<1x1x16xf32>,
    %get3A_739 = vector.shape_cast %get3A_738 : vector<1x1x16xf32> to vector<16xf32>
    %add3A_740 = arith.addf %add3A_732, %get3A_739 : vector<16xf32>
    %get3A_741 = arith.constant 1 : i32
    %get3A_742 = arith.constant 4 : i32
    %get3A_743 = arith.index_cast %get3A_741 : i32 to index
    %get3A_744 = arith.index_cast %get3A_742 : i32 to index
    %get3A_745 = arith.constant 48 : index
    %get3A_746 = tpu.vector_load %arg6[%get3A_743, %get3A_744, %get3A_745] {strides = array<i32>} : memref<2x8x128xf32, #tpu.memory_space<vmem>>, vector<1x1x16xf32>,
    %get3A_747 = vector.shape_cast %get3A_746 : vector<1x1x16xf32> to vector<16xf32>
    %add3A_748 = arith.addf %add3A_740, %get3A_747 : vector<16xf32>
    %get3A_749 = arith.constant 1 : i32
    %get3A_750 = arith.constant 5 : i32
    %get3A_751 = arith.index_cast %get3A_749 : i32 to index
    %get3A_752 = arith.index_cast %get3A_750 : i32 to index
    %get3A_753 = arith.constant 48 : index
    %get3A_754 = tpu.vector_load %arg6[%get3A_751, %get3A_752, %get3A_753] {strides = array<i32>} : memref<2x8x128xf32, #tpu.memory_space<vmem>>, vector<1x1x16xf32>,
    %get3A_755 = vector.shape_cast %get3A_754 : vector<1x1x16xf32> to vector<16xf32>
    %add3A_756 = arith.addf %add3A_748, %get3A_755 : vector<16xf32>
    %get3A_757 = arith.constant 1 : i32
    %get3A_758 = arith.constant 0 : i32
    %get3A_759 = arith.index_cast %get3A_757 : i32 to index
    %get3A_760 = arith.index_cast %get3A_758 : i32 to index
    %get3A_761 = arith.constant 48 : index
    %get3A_762 = tpu.vector_load %arg6[%get3A_759, %get3A_760, %get3A_761] {strides = array<i32>} : memref<2x8x128xf32, #tpu.memory_space<vmem>>, vector<1x1x16xf32>,
    %get3A_763 = vector.shape_cast %get3A_762 : vector<1x1x16xf32> to vector<16xf32>
    %swap3A_764 = arith.constant 1 : i32
    %swap3A_765 = arith.index_cast %swap3A_764 : i32 to index
    %swap3A_766 = arith.constant 48 : index
    %swap3A_767 = tpu.vector_load %arg7[%swap3A_765, %swap3A_766] {strides = array<i32>} : memref<2x256xf32, #tpu.memory_space<vmem>>, vector<1x16xf32>,
    %swap3A_768 = vector.shape_cast %swap3A_767 : vector<1x16xf32> to vector<16xf32>
    %swap3A_769 = vector.shape_cast %get3A_763 : vector<16xf32> to vector<1x16xf32>
    tpu.vector_store %arg7[%swap3A_765, %swap3A_766], %swap3A_769 {strides = array<i32>} : memref<2x256xf32, #tpu.memory_space<vmem>>, vector<1x16xf32>,
    %mul3A_770 = arith.constant 2.000000e-01 : f32
    %mul3A_771 = vector.broadcast %mul3A_770 : f32 to vector<16xf32>
    %mul3A_772 = arith.mulf %add3A_756, %mul3A_771 : vector<16xf32>
    %swap3A_773 = arith.constant 1 : i32
    %swap3A_774 = arith.index_cast %swap3A_773 : i32 to index
    %swap3A_775 = arith.constant 176 : index
    %swap3A_776 = tpu.vector_load %arg7[%swap3A_774, %swap3A_775] {strides = array<i32>} : memref<2x256xf32, #tpu.memory_space<vmem>>, vector<1x16xf32>,
    %swap3A_777 = vector.shape_cast %swap3A_776 : vector<1x16xf32> to vector<16xf32>
    %swap3A_778 = vector.shape_cast %mul3A_772 : vector<16xf32> to vector<1x16xf32>
    tpu.vector_store %arg7[%swap3A_774, %swap3A_775], %swap3A_778 {strides = array<i32>} : memref<2x256xf32, #tpu.memory_space<vmem>>, vector<1x16xf32>,
    %get3A_779 = arith.constant 1 : i32
    %get3A_780 = arith.constant 1 : i32
    %get3A_781 = arith.index_cast %get3A_779 : i32 to index
    %get3A_782 = arith.index_cast %get3A_780 : i32 to index
    %get3A_783 = arith.constant 64 : index
    %get3A_784 = tpu.vector_load %arg6[%get3A_781, %get3A_782, %get3A_783] {strides = array<i32>} : memref<2x8x128xf32, #tpu.memory_space<vmem>>, vector<1x1x16xf32>,
    %get3A_785 = vector.shape_cast %get3A_784 : vector<1x1x16xf32> to vector<16xf32>
    %get3A_786 = arith.constant 1 : i32
    %get3A_787 = arith.constant 2 : i32
    %get3A_788 = arith.index_cast %get3A_786 : i32 to index
    %get3A_789 = arith.index_cast %get3A_787 : i32 to index
    %get3A_790 = arith.constant 64 : index
    %get3A_791 = tpu.vector_load %arg6[%get3A_788, %get3A_789, %get3A_790] {strides = array<i32>} : memref<2x8x128xf32, #tpu.memory_space<vmem>>, vector<1x1x16xf32>,
    %get3A_792 = vector.shape_cast %get3A_791 : vector<1x1x16xf32> to vector<16xf32>
    %add3A_793 = arith.addf %get3A_785, %get3A_792 : vector<16xf32>
    %get3A_794 = arith.constant 1 : i32
    %get3A_795 = arith.constant 3 : i32
    %get3A_796 = arith.index_cast %get3A_794 : i32 to index
    %get3A_797 = arith.index_cast %get3A_795 : i32 to index
    %get3A_798 = arith.constant 64 : index
    %get3A_799 = tpu.vector_load %arg6[%get3A_796, %get3A_797, %get3A_798] {strides = array<i32>} : memref<2x8x128xf32, #tpu.memory_space<vmem>>, vector<1x1x16xf32>,
    %get3A_800 = vector.shape_cast %get3A_799 : vector<1x1x16xf32> to vector<16xf32>
    %add3A_801 = arith.addf %add3A_793, %get3A_800 : vector<16xf32>
    %get3A_802 = arith.constant 1 : i32
    %get3A_803 = arith.constant 4 : i32
    %get3A_804 = arith.index_cast %get3A_802 : i32 to index
    %get3A_805 = arith.index_cast %get3A_803 : i32 to index
    %get3A_806 = arith.constant 64 : index
    %get3A_807 = tpu.vector_load %arg6[%get3A_804, %get3A_805, %get3A_806] {strides = array<i32>} : memref<2x8x128xf32, #tpu.memory_space<vmem>>, vector<1x1x16xf32>,
    %get3A_808 = vector.shape_cast %get3A_807 : vector<1x1x16xf32> to vector<16xf32>
    %add3A_809 = arith.addf %add3A_801, %get3A_808 : vector<16xf32>
    %get3A_810 = arith.constant 1 : i32
    %get3A_811 = arith.constant 5 : i32
    %get3A_812 = arith.index_cast %get3A_810 : i32 to index
    %get3A_813 = arith.index_cast %get3A_811 : i32 to index
    %get3A_814 = arith.constant 64 : index
    %get3A_815 = tpu.vector_load %arg6[%get3A_812, %get3A_813, %get3A_814] {strides = array<i32>} : memref<2x8x128xf32, #tpu.memory_space<vmem>>, vector<1x1x16xf32>,
    %get3A_816 = vector.shape_cast %get3A_815 : vector<1x1x16xf32> to vector<16xf32>
    %add3A_817 = arith.addf %add3A_809, %get3A_816 : vector<16xf32>
    %get3A_818 = arith.constant 1 : i32
    %get3A_819 = arith.constant 0 : i32
    %get3A_820 = arith.index_cast %get3A_818 : i32 to index
    %get3A_821 = arith.index_cast %get3A_819 : i32 to index
    %get3A_822 = arith.constant 64 : index
    %get3A_823 = tpu.vector_load %arg6[%get3A_820, %get3A_821, %get3A_822] {strides = array<i32>} : memref<2x8x128xf32, #tpu.memory_space<vmem>>, vector<1x1x16xf32>,
    %get3A_824 = vector.shape_cast %get3A_823 : vector<1x1x16xf32> to vector<16xf32>
    %swap3A_825 = arith.constant 1 : i32
    %swap3A_826 = arith.index_cast %swap3A_825 : i32 to index
    %swap3A_827 = arith.constant 64 : index
    %swap3A_828 = tpu.vector_load %arg7[%swap3A_826, %swap3A_827] {strides = array<i32>} : memref<2x256xf32, #tpu.memory_space<vmem>>, vector<1x16xf32>,
    %swap3A_829 = vector.shape_cast %swap3A_828 : vector<1x16xf32> to vector<16xf32>
    %swap3A_830 = vector.shape_cast %get3A_824 : vector<16xf32> to vector<1x16xf32>
    tpu.vector_store %arg7[%swap3A_826, %swap3A_827], %swap3A_830 {strides = array<i32>} : memref<2x256xf32, #tpu.memory_space<vmem>>, vector<1x16xf32>,
    %mul3A_831 = arith.constant 2.000000e-01 : f32
    %mul3A_832 = vector.broadcast %mul3A_831 : f32 to vector<16xf32>
    %mul3A_833 = arith.mulf %add3A_817, %mul3A_832 : vector<16xf32>
    %swap3A_834 = arith.constant 1 : i32
    %swap3A_835 = arith.index_cast %swap3A_834 : i32 to index
    %swap3A_836 = arith.constant 192 : index
    %swap3A_837 = tpu.vector_load %arg7[%swap3A_835, %swap3A_836] {strides = array<i32>} : memref<2x256xf32, #tpu.memory_space<vmem>>, vector<1x16xf32>,
    %swap3A_838 = vector.shape_cast %swap3A_837 : vector<1x16xf32> to vector<16xf32>
    %swap3A_839 = vector.shape_cast %mul3A_833 : vector<16xf32> to vector<1x16xf32>
    tpu.vector_store %arg7[%swap3A_835, %swap3A_836], %swap3A_839 {strides = array<i32>} : memref<2x256xf32, #tpu.memory_space<vmem>>, vector<1x16xf32>,
    %get3A_840 = arith.constant 1 : i32
    %get3A_841 = arith.constant 1 : i32
    %get3A_842 = arith.index_cast %get3A_840 : i32 to index
    %get3A_843 = arith.index_cast %get3A_841 : i32 to index
    %get3A_844 = arith.constant 80 : index
    %get3A_845 = tpu.vector_load %arg6[%get3A_842, %get3A_843, %get3A_844] {strides = array<i32>} : memref<2x8x128xf32, #tpu.memory_space<vmem>>, vector<1x1x16xf32>,
    %get3A_846 = vector.shape_cast %get3A_845 : vector<1x1x16xf32> to vector<16xf32>
    %get3A_847 = arith.constant 1 : i32
    %get3A_848 = arith.constant 2 : i32
    %get3A_849 = arith.index_cast %get3A_847 : i32 to index
    %get3A_850 = arith.index_cast %get3A_848 : i32 to index
    %get3A_851 = arith.constant 80 : index
    %get3A_852 = tpu.vector_load %arg6[%get3A_849, %get3A_850, %get3A_851] {strides = array<i32>} : memref<2x8x128xf32, #tpu.memory_space<vmem>>, vector<1x1x16xf32>,
    %get3A_853 = vector.shape_cast %get3A_852 : vector<1x1x16xf32> to vector<16xf32>
    %add3A_854 = arith.addf %get3A_846, %get3A_853 : vector<16xf32>
    %get3A_855 = arith.constant 1 : i32
    %get3A_856 = arith.constant 3 : i32
    %get3A_857 = arith.index_cast %get3A_855 : i32 to index
    %get3A_858 = arith.index_cast %get3A_856 : i32 to index
    %get3A_859 = arith.constant 80 : index
    %get3A_860 = tpu.vector_load %arg6[%get3A_857, %get3A_858, %get3A_859] {strides = array<i32>} : memref<2x8x128xf32, #tpu.memory_space<vmem>>, vector<1x1x16xf32>,
    %get3A_861 = vector.shape_cast %get3A_860 : vector<1x1x16xf32> to vector<16xf32>
    %add3A_862 = arith.addf %add3A_854, %get3A_861 : vector<16xf32>
    %get3A_863 = arith.constant 1 : i32
    %get3A_864 = arith.constant 4 : i32
    %get3A_865 = arith.index_cast %get3A_863 : i32 to index
    %get3A_866 = arith.index_cast %get3A_864 : i32 to index
    %get3A_867 = arith.constant 80 : index
    %get3A_868 = tpu.vector_load %arg6[%get3A_865, %get3A_866, %get3A_867] {strides = array<i32>} : memref<2x8x128xf32, #tpu.memory_space<vmem>>, vector<1x1x16xf32>,
    %get3A_869 = vector.shape_cast %get3A_868 : vector<1x1x16xf32> to vector<16xf32>
    %add3A_870 = arith.addf %add3A_862, %get3A_869 : vector<16xf32>
    %get3A_871 = arith.constant 1 : i32
    %get3A_872 = arith.constant 5 : i32
    %get3A_873 = arith.index_cast %get3A_871 : i32 to index
    %get3A_874 = arith.index_cast %get3A_872 : i32 to index
    %get3A_875 = arith.constant 80 : index
    %get3A_876 = tpu.vector_load %arg6[%get3A_873, %get3A_874, %get3A_875] {strides = array<i32>} : memref<2x8x128xf32, #tpu.memory_space<vmem>>, vector<1x1x16xf32>,
    %get3A_877 = vector.shape_cast %get3A_876 : vector<1x1x16xf32> to vector<16xf32>
    %add3A_878 = arith.addf %add3A_870, %get3A_877 : vector<16xf32>
    %get3A_879 = arith.constant 1 : i32
    %get3A_880 = arith.constant 0 : i32
    %get3A_881 = arith.index_cast %get3A_879 : i32 to index
    %get3A_882 = arith.index_cast %get3A_880 : i32 to index
    %get3A_883 = arith.constant 80 : index
    %get3A_884 = tpu.vector_load %arg6[%get3A_881, %get3A_882, %get3A_883] {strides = array<i32>} : memref<2x8x128xf32, #tpu.memory_space<vmem>>, vector<1x1x16xf32>,
    %get3A_885 = vector.shape_cast %get3A_884 : vector<1x1x16xf32> to vector<16xf32>
    %swap3A_886 = arith.constant 1 : i32
    %swap3A_887 = arith.index_cast %swap3A_886 : i32 to index
    %swap3A_888 = arith.constant 80 : index
    %swap3A_889 = tpu.vector_load %arg7[%swap3A_887, %swap3A_888] {strides = array<i32>} : memref<2x256xf32, #tpu.memory_space<vmem>>, vector<1x16xf32>,
    %swap3A_890 = vector.shape_cast %swap3A_889 : vector<1x16xf32> to vector<16xf32>
    %swap3A_891 = vector.shape_cast %get3A_885 : vector<16xf32> to vector<1x16xf32>
    tpu.vector_store %arg7[%swap3A_887, %swap3A_888], %swap3A_891 {strides = array<i32>} : memref<2x256xf32, #tpu.memory_space<vmem>>, vector<1x16xf32>,
    %mul3A_892 = arith.constant 2.000000e-01 : f32
    %mul3A_893 = vector.broadcast %mul3A_892 : f32 to vector<16xf32>
    %mul3A_894 = arith.mulf %add3A_878, %mul3A_893 : vector<16xf32>
    %swap3A_895 = arith.constant 1 : i32
    %swap3A_896 = arith.index_cast %swap3A_895 : i32 to index
    %swap3A_897 = arith.constant 208 : index
    %swap3A_898 = tpu.vector_load %arg7[%swap3A_896, %swap3A_897] {strides = array<i32>} : memref<2x256xf32, #tpu.memory_space<vmem>>, vector<1x16xf32>,
    %swap3A_899 = vector.shape_cast %swap3A_898 : vector<1x16xf32> to vector<16xf32>
    %swap3A_900 = vector.shape_cast %mul3A_894 : vector<16xf32> to vector<1x16xf32>
    tpu.vector_store %arg7[%swap3A_896, %swap3A_897], %swap3A_900 {strides = array<i32>} : memref<2x256xf32, #tpu.memory_space<vmem>>, vector<1x16xf32>,
    %get3A_901 = arith.constant 1 : i32
    %get3A_902 = arith.constant 1 : i32
    %get3A_903 = arith.index_cast %get3A_901 : i32 to index
    %get3A_904 = arith.index_cast %get3A_902 : i32 to index
    %get3A_905 = arith.constant 96 : index
    %get3A_906 = tpu.vector_load %arg6[%get3A_903, %get3A_904, %get3A_905] {strides = array<i32>} : memref<2x8x128xf32, #tpu.memory_space<vmem>>, vector<1x1x16xf32>,
    %get3A_907 = vector.shape_cast %get3A_906 : vector<1x1x16xf32> to vector<16xf32>
    %get3A_908 = arith.constant 1 : i32
    %get3A_909 = arith.constant 2 : i32
    %get3A_910 = arith.index_cast %get3A_908 : i32 to index
    %get3A_911 = arith.index_cast %get3A_909 : i32 to index
    %get3A_912 = arith.constant 96 : index
    %get3A_913 = tpu.vector_load %arg6[%get3A_910, %get3A_911, %get3A_912] {strides = array<i32>} : memref<2x8x128xf32, #tpu.memory_space<vmem>>, vector<1x1x16xf32>,
    %get3A_914 = vector.shape_cast %get3A_913 : vector<1x1x16xf32> to vector<16xf32>
    %add3A_915 = arith.addf %get3A_907, %get3A_914 : vector<16xf32>
    %get3A_916 = arith.constant 1 : i32
    %get3A_917 = arith.constant 3 : i32
    %get3A_918 = arith.index_cast %get3A_916 : i32 to index
    %get3A_919 = arith.index_cast %get3A_917 : i32 to index
    %get3A_920 = arith.constant 96 : index
    %get3A_921 = tpu.vector_load %arg6[%get3A_918, %get3A_919, %get3A_920] {strides = array<i32>} : memref<2x8x128xf32, #tpu.memory_space<vmem>>, vector<1x1x16xf32>,
    %get3A_922 = vector.shape_cast %get3A_921 : vector<1x1x16xf32> to vector<16xf32>
    %add3A_923 = arith.addf %add3A_915, %get3A_922 : vector<16xf32>
    %get3A_924 = arith.constant 1 : i32
    %get3A_925 = arith.constant 4 : i32
    %get3A_926 = arith.index_cast %get3A_924 : i32 to index
    %get3A_927 = arith.index_cast %get3A_925 : i32 to index
    %get3A_928 = arith.constant 96 : index
    %get3A_929 = tpu.vector_load %arg6[%get3A_926, %get3A_927, %get3A_928] {strides = array<i32>} : memref<2x8x128xf32, #tpu.memory_space<vmem>>, vector<1x1x16xf32>,
    %get3A_930 = vector.shape_cast %get3A_929 : vector<1x1x16xf32> to vector<16xf32>
    %add3A_931 = arith.addf %add3A_923, %get3A_930 : vector<16xf32>
    %get3A_932 = arith.constant 1 : i32
    %get3A_933 = arith.constant 5 : i32
    %get3A_934 = arith.index_cast %get3A_932 : i32 to index
    %get3A_935 = arith.index_cast %get3A_933 : i32 to index
    %get3A_936 = arith.constant 96 : index
    %get3A_937 = tpu.vector_load %arg6[%get3A_934, %get3A_935, %get3A_936] {strides = array<i32>} : memref<2x8x128xf32, #tpu.memory_space<vmem>>, vector<1x1x16xf32>,
    %get3A_938 = vector.shape_cast %get3A_937 : vector<1x1x16xf32> to vector<16xf32>
    %add3A_939 = arith.addf %add3A_931, %get3A_938 : vector<16xf32>
    %get3A_940 = arith.constant 1 : i32
    %get3A_941 = arith.constant 0 : i32
    %get3A_942 = arith.index_cast %get3A_940 : i32 to index
    %get3A_943 = arith.index_cast %get3A_941 : i32 to index
    %get3A_944 = arith.constant 96 : index
    %get3A_945 = tpu.vector_load %arg6[%get3A_942, %get3A_943, %get3A_944] {strides = array<i32>} : memref<2x8x128xf32, #tpu.memory_space<vmem>>, vector<1x1x16xf32>,
    %get3A_946 = vector.shape_cast %get3A_945 : vector<1x1x16xf32> to vector<16xf32>
    %swap3A_947 = arith.constant 1 : i32
    %swap3A_948 = arith.index_cast %swap3A_947 : i32 to index
    %swap3A_949 = arith.constant 96 : index
    %swap3A_950 = tpu.vector_load %arg7[%swap3A_948, %swap3A_949] {strides = array<i32>} : memref<2x256xf32, #tpu.memory_space<vmem>>, vector<1x16xf32>,
    %swap3A_951 = vector.shape_cast %swap3A_950 : vector<1x16xf32> to vector<16xf32>
    %swap3A_952 = vector.shape_cast %get3A_946 : vector<16xf32> to vector<1x16xf32>
    tpu.vector_store %arg7[%swap3A_948, %swap3A_949], %swap3A_952 {strides = array<i32>} : memref<2x256xf32, #tpu.memory_space<vmem>>, vector<1x16xf32>,
    %mul3A_953 = arith.constant 2.000000e-01 : f32
    %mul3A_954 = vector.broadcast %mul3A_953 : f32 to vector<16xf32>
    %mul3A_955 = arith.mulf %add3A_939, %mul3A_954 : vector<16xf32>
    %swap3A_956 = arith.constant 1 : i32
    %swap3A_957 = arith.index_cast %swap3A_956 : i32 to index
    %swap3A_958 = arith.constant 224 : index
    %swap3A_959 = tpu.vector_load %arg7[%swap3A_957, %swap3A_958] {strides = array<i32>} : memref<2x256xf32, #tpu.memory_space<vmem>>, vector<1x16xf32>,
    %swap3A_960 = vector.shape_cast %swap3A_959 : vector<1x16xf32> to vector<16xf32>
    %swap3A_961 = vector.shape_cast %mul3A_955 : vector<16xf32> to vector<1x16xf32>
    tpu.vector_store %arg7[%swap3A_957, %swap3A_958], %swap3A_961 {strides = array<i32>} : memref<2x256xf32, #tpu.memory_space<vmem>>, vector<1x16xf32>,
    %get3A_962 = arith.constant 1 : i32
    %get3A_963 = arith.constant 1 : i32
    %get3A_964 = arith.index_cast %get3A_962 : i32 to index
    %get3A_965 = arith.index_cast %get3A_963 : i32 to index
    %get3A_966 = arith.constant 112 : index
    %get3A_967 = tpu.vector_load %arg6[%get3A_964, %get3A_965, %get3A_966] {strides = array<i32>} : memref<2x8x128xf32, #tpu.memory_space<vmem>>, vector<1x1x16xf32>,
    %get3A_968 = vector.shape_cast %get3A_967 : vector<1x1x16xf32> to vector<16xf32>
    %get3A_969 = arith.constant 1 : i32
    %get3A_970 = arith.constant 2 : i32
    %get3A_971 = arith.index_cast %get3A_969 : i32 to index
    %get3A_972 = arith.index_cast %get3A_970 : i32 to index
    %get3A_973 = arith.constant 112 : index
    %get3A_974 = tpu.vector_load %arg6[%get3A_971, %get3A_972, %get3A_973] {strides = array<i32>} : memref<2x8x128xf32, #tpu.memory_space<vmem>>, vector<1x1x16xf32>,
    %get3A_975 = vector.shape_cast %get3A_974 : vector<1x1x16xf32> to vector<16xf32>
    %add3A_976 = arith.addf %get3A_968, %get3A_975 : vector<16xf32>
    %get3A_977 = arith.constant 1 : i32
    %get3A_978 = arith.constant 3 : i32
    %get3A_979 = arith.index_cast %get3A_977 : i32 to index
    %get3A_980 = arith.index_cast %get3A_978 : i32 to index
    %get3A_981 = arith.constant 112 : index
    %get3A_982 = tpu.vector_load %arg6[%get3A_979, %get3A_980, %get3A_981] {strides = array<i32>} : memref<2x8x128xf32, #tpu.memory_space<vmem>>, vector<1x1x16xf32>,
    %get3A_983 = vector.shape_cast %get3A_982 : vector<1x1x16xf32> to vector<16xf32>
    %add3A_984 = arith.addf %add3A_976, %get3A_983 : vector<16xf32>
    %get3A_985 = arith.constant 1 : i32
    %get3A_986 = arith.constant 4 : i32
    %get3A_987 = arith.index_cast %get3A_985 : i32 to index
    %get3A_988 = arith.index_cast %get3A_986 : i32 to index
    %get3A_989 = arith.constant 112 : index
    %get3A_990 = tpu.vector_load %arg6[%get3A_987, %get3A_988, %get3A_989] {strides = array<i32>} : memref<2x8x128xf32, #tpu.memory_space<vmem>>, vector<1x1x16xf32>,
    %get3A_991 = vector.shape_cast %get3A_990 : vector<1x1x16xf32> to vector<16xf32>
    %add3A_992 = arith.addf %add3A_984, %get3A_991 : vector<16xf32>
    %get3A_993 = arith.constant 1 : i32
    %get3A_994 = arith.constant 5 : i32
    %get3A_995 = arith.index_cast %get3A_993 : i32 to index
    %get3A_996 = arith.index_cast %get3A_994 : i32 to index
    %get3A_997 = arith.constant 112 : index
    %get3A_998 = tpu.vector_load %arg6[%get3A_995, %get3A_996, %get3A_997] {strides = array<i32>} : memref<2x8x128xf32, #tpu.memory_space<vmem>>, vector<1x1x16xf32>,
    %get3A_999 = vector.shape_cast %get3A_998 : vector<1x1x16xf32> to vector<16xf32>
    %add3A_1000 = arith.addf %add3A_992, %get3A_999 : vector<16xf32>
    %get3A_1001 = arith.constant 1 : i32
    %get3A_1002 = arith.constant 0 : i32
    %get3A_1003 = arith.index_cast %get3A_1001 : i32 to index
    %get3A_1004 = arith.index_cast %get3A_1002 : i32 to index
    %get3A_1005 = arith.constant 112 : index
    %get3A_1006 = tpu.vector_load %arg6[%get3A_1003, %get3A_1004, %get3A_1005] {strides = array<i32>} : memref<2x8x128xf32, #tpu.memory_space<vmem>>, vector<1x1x16xf32>,
    %get3A_1007 = vector.shape_cast %get3A_1006 : vector<1x1x16xf32> to vector<16xf32>
    %swap3A_1008 = arith.constant 1 : i32
    %swap3A_1009 = arith.index_cast %swap3A_1008 : i32 to index
    %swap3A_1010 = arith.constant 112 : index
    %swap3A_1011 = tpu.vector_load %arg7[%swap3A_1009, %swap3A_1010] {strides = array<i32>} : memref<2x256xf32, #tpu.memory_space<vmem>>, vector<1x16xf32>,
    %swap3A_1012 = vector.shape_cast %swap3A_1011 : vector<1x16xf32> to vector<16xf32>
    %swap3A_1013 = vector.shape_cast %get3A_1007 : vector<16xf32> to vector<1x16xf32>
    tpu.vector_store %arg7[%swap3A_1009, %swap3A_1010], %swap3A_1013 {strides = array<i32>} : memref<2x256xf32, #tpu.memory_space<vmem>>, vector<1x16xf32>,
    %mul3A_1014 = arith.constant 2.000000e-01 : f32
    %mul3A_1015 = vector.broadcast %mul3A_1014 : f32 to vector<16xf32>
    %mul3A_1016 = arith.mulf %add3A_1000, %mul3A_1015 : vector<16xf32>
    %swap3A_1017 = arith.constant 1 : i32
    %swap3A_1018 = arith.index_cast %swap3A_1017 : i32 to index
    %swap3A_1019 = arith.constant 240 : index
    %swap3A_1020 = tpu.vector_load %arg7[%swap3A_1018, %swap3A_1019] {strides = array<i32>} : memref<2x256xf32, #tpu.memory_space<vmem>>, vector<1x16xf32>,
    %swap3A_1021 = vector.shape_cast %swap3A_1020 : vector<1x16xf32> to vector<16xf32>
    %swap3A_1022 = vector.shape_cast %mul3A_1016 : vector<16xf32> to vector<1x16xf32>
    tpu.vector_store %arg7[%swap3A_1018, %swap3A_1019], %swap3A_1022 {strides = array<i32>} : memref<2x256xf32, #tpu.memory_space<vmem>>, vector<1x16xf32>,
    %mul3A_1023 = arith.constant 2 : i32
    %mul3A_1024 = arith.muli %add3A, %mul3A_1023 : i32
    "tpu.region"() ({
      %run_scoped3A = tpu.sem_alloc : memref<!tpu.dma_semaphore, #tpu.memory_space<semaphore_mem>>
      %dma_start3A_1025 = arith.constant 0 : i32
      %dma_start3A_1026 = tpu.memref_slice %arg4[%mul3A_1024, %dma_start3A_1025] : memref<64x256xf32, #tpu.memory_space<hbm>> -> memref<2x256xf32, #tpu.memory_space<hbm>>
      %dma_start3A_1027 = arith.constant 0 : i32
      %dma_start3A_1028 = tpu.memref_slice %arg4[%mul3A_1024, %dma_start3A_1027] : memref<64x256xf32, #tpu.memory_space<hbm>> -> memref<2x256xf32, #tpu.memory_space<hbm>>
      tpu.enqueue_dma source(%arg7 : memref<2x256xf32, #tpu.memory_space<vmem>>) target(%dma_start3A_1028 : memref<2x256xf32, #tpu.memory_space<hbm>>) target_semaphore(%run_scoped3A : memref<!tpu.dma_semaphore, #tpu.memory_space<semaphore_mem>>)
      %dma_wait3A_1029 = arith.constant 0 : i32
      %dma_wait3A_1030 = tpu.memref_slice %arg4[%mul3A_1024, %dma_wait3A_1029] : memref<64x256xf32, #tpu.memory_space<hbm>> -> memref<2x256xf32, #tpu.memory_space<hbm>>
      %dma_wait3A_1031 = arith.constant 0 : i32
      %dma_wait3A_1032 = tpu.memref_slice %arg4[%mul3A_1024, %dma_wait3A_1031] : memref<64x256xf32, #tpu.memory_space<hbm>> -> memref<2x256xf32, #tpu.memory_space<hbm>>
      tpu.wait_dma2 semaphore(%run_scoped3A : memref<!tpu.dma_semaphore, #tpu.memory_space<semaphore_mem>>) src(%arg7 : memref<2x256xf32, #tpu.memory_space<vmem>>) dst(%dma_wait3A_1032 : memref<2x256xf32, #tpu.memory_space<hbm>>)
      tpu.yield
    }) : () -> ()
    return
  }
}

module attributes {stable_mosaic.version = 14 : i64} {
  func.func @_sim_topk_body(%arg0: memref<64x32xi32, #tpu.memory_space<vmem>>, %arg1: memref<32x20480xi8, #tpu.memory_space<vmem>>, %arg2: memref<64x1xi32, #tpu.memory_space<vmem>>, %arg3: memref<64x8xi32, #tpu.memory_space<vmem>>) attributes {dimension_semantics = [], scalar_prefetch = 0 : i64, scratch_operands = 0 : i64, tpu.core_type = #tpu.core_type<tc>} {
    %get3A = arith.constant 0 : index
    %get3A_0 = arith.constant 0 : index
    %get3A_1 = vector.load %arg0[%get3A, %get3A_0] : memref<64x32xi32, #tpu.memory_space<vmem>>, vector<64x32xi32>
    %gt3A = arith.constant 0 : i32
    %gt3A_2 = vector.broadcast %gt3A : i32 to vector<64x32xi32>
    %gt3A_3 = arith.cmpi sgt, %get3A_1, %gt3A_2 : vector<64x32xi32>
    %convert_element_type3A = arith.extui %gt3A_3 : vector<64x32xi1> to vector<64x32xi32>
    %convert_element_type3A_4 = arith.sitofp %convert_element_type3A : vector<64x32xi32> to vector<64x32xf32>
    %convert_element_type3A_5 = arith.truncf %convert_element_type3A_4 : vector<64x32xf32> to vector<64x32xbf16>
    %get3A_6 = arith.constant 0 : index
    %get3A_7 = arith.constant 0 : index
    %get3A_8 = vector.load %arg0[%get3A_6, %get3A_7] : memref<64x32xi32, #tpu.memory_space<vmem>>, vector<64x1xi32>
    %gt3A_9 = arith.constant 0 : i32
    %gt3A_10 = vector.broadcast %gt3A_9 : i32 to vector<64x1xi32>
    %gt3A_11 = arith.cmpi sgt, %get3A_8, %gt3A_10 : vector<64x1xi32>
    %convert_element_type3A_12 = arith.extui %gt3A_11 : vector<64x1xi1> to vector<64x1xi32>
    %convert_element_type3A_13 = arith.sitofp %convert_element_type3A_12 : vector<64x1xi32> to vector<64x1xf32>
    %get3A_14 = arith.constant 0 : index
    %get3A_15 = arith.constant 0 : index
    %get3A_16 = vector.load %arg1[%get3A_14, %get3A_15] : memref<32x20480xi8, #tpu.memory_space<vmem>>, vector<32x5120xi8>
    %convert_element_type3A_17 = arith.extsi %get3A_16 : vector<32x5120xi8> to vector<32x5120xi32>
    %gt3A_18 = arith.constant 0 : i32
    %gt3A_19 = vector.broadcast %gt3A_18 : i32 to vector<32x5120xi32>
    %gt3A_20 = arith.cmpi sgt, %convert_element_type3A_17, %gt3A_19 : vector<32x5120xi32>
    %convert_element_type3A_21 = arith.extui %gt3A_20 : vector<32x5120xi1> to vector<32x5120xi32>
    %convert_element_type3A_22 = arith.sitofp %convert_element_type3A_21 : vector<32x5120xi32> to vector<32x5120xf32>
    %convert_element_type3A_23 = arith.truncf %convert_element_type3A_22 : vector<32x5120xf32> to vector<32x5120xbf16>
    %dot_general3A = arith.constant dense<0.000000e+00> : vector<64x5120xf32>
    %dot_general3A_24 = tpu.matmul %convert_element_type3A_5, %convert_element_type3A_23, %dot_general3A {dimension_numbers = #tpu.dot_dimension_numbers<[1], [0], [0], [1], [0, 0, 1, 1], [], []>, transpose_lhs_hint = false} : vector<64x32xbf16>, vector<32x5120xbf16>, vector<64x5120xf32> -> vector<64x5120xf32>
    %slice3A = vector.extract_strided_slice %convert_element_type3A_17 {offsets = [0, 0], sizes = [1, 5120], strides = [1, 1]} : vector<32x5120xi32> to vector<1x5120xi32>
    %eq3A = arith.constant 0 : i32
    %eq3A_25 = vector.broadcast %eq3A : i32 to vector<1x5120xi32>
    %eq3A_26 = arith.cmpi eq, %slice3A, %eq3A_25 : vector<1x5120xi32>
    %convert_element_type3A_27 = arith.extui %eq3A_26 : vector<1x5120xi1> to vector<1x5120xi32>
    %convert_element_type3A_28 = arith.sitofp %convert_element_type3A_27 : vector<1x5120xi32> to vector<1x5120xf32>
    %mul3A = vector.broadcast %convert_element_type3A_13 : vector<64x1xf32> to vector<64x5120xf32>
    %mul3A_29 = vector.broadcast %convert_element_type3A_28 : vector<1x5120xf32> to vector<64x5120xf32>
    %mul3A_30 = arith.mulf %mul3A, %mul3A_29 : vector<64x5120xf32>
    %add3A = arith.addf %dot_general3A_24, %mul3A_30 : vector<64x5120xf32>
    %get3A_31 = arith.constant 0 : index
    %get3A_32 = arith.constant 5120 : index
    %get3A_33 = vector.load %arg1[%get3A_31, %get3A_32] : memref<32x20480xi8, #tpu.memory_space<vmem>>, vector<32x5120xi8>
    %convert_element_type3A_34 = arith.extsi %get3A_33 : vector<32x5120xi8> to vector<32x5120xi32>
    %gt3A_35 = arith.constant 0 : i32
    %gt3A_36 = vector.broadcast %gt3A_35 : i32 to vector<32x5120xi32>
    %gt3A_37 = arith.cmpi sgt, %convert_element_type3A_34, %gt3A_36 : vector<32x5120xi32>
    %convert_element_type3A_38 = arith.extui %gt3A_37 : vector<32x5120xi1> to vector<32x5120xi32>
    %convert_element_type3A_39 = arith.sitofp %convert_element_type3A_38 : vector<32x5120xi32> to vector<32x5120xf32>
    %convert_element_type3A_40 = arith.truncf %convert_element_type3A_39 : vector<32x5120xf32> to vector<32x5120xbf16>
    %dot_general3A_41 = arith.constant dense<0.000000e+00> : vector<64x5120xf32>
    %dot_general3A_42 = tpu.matmul %convert_element_type3A_5, %convert_element_type3A_40, %dot_general3A_41 {dimension_numbers = #tpu.dot_dimension_numbers<[1], [0], [0], [1], [0, 0, 1, 1], [], []>, transpose_lhs_hint = false} : vector<64x32xbf16>, vector<32x5120xbf16>, vector<64x5120xf32> -> vector<64x5120xf32>
    %slice3A_43 = vector.extract_strided_slice %convert_element_type3A_34 {offsets = [0, 0], sizes = [1, 5120], strides = [1, 1]} : vector<32x5120xi32> to vector<1x5120xi32>
    %eq3A_44 = arith.constant 0 : i32
    %eq3A_45 = vector.broadcast %eq3A_44 : i32 to vector<1x5120xi32>
    %eq3A_46 = arith.cmpi eq, %slice3A_43, %eq3A_45 : vector<1x5120xi32>
    %convert_element_type3A_47 = arith.extui %eq3A_46 : vector<1x5120xi1> to vector<1x5120xi32>
    %convert_element_type3A_48 = arith.sitofp %convert_element_type3A_47 : vector<1x5120xi32> to vector<1x5120xf32>
    %mul3A_49 = vector.broadcast %convert_element_type3A_13 : vector<64x1xf32> to vector<64x5120xf32>
    %mul3A_50 = vector.broadcast %convert_element_type3A_48 : vector<1x5120xf32> to vector<64x5120xf32>
    %mul3A_51 = arith.mulf %mul3A_49, %mul3A_50 : vector<64x5120xf32>
    %add3A_52 = arith.addf %dot_general3A_42, %mul3A_51 : vector<64x5120xf32>
    %max3A = arith.maximumf %add3A, %add3A_52 : vector<64x5120xf32>
    %get3A_53 = arith.constant 0 : index
    %get3A_54 = arith.constant 10240 : index
    %get3A_55 = vector.load %arg1[%get3A_53, %get3A_54] : memref<32x20480xi8, #tpu.memory_space<vmem>>, vector<32x5120xi8>
    %convert_element_type3A_56 = arith.extsi %get3A_55 : vector<32x5120xi8> to vector<32x5120xi32>
    %gt3A_57 = arith.constant 0 : i32
    %gt3A_58 = vector.broadcast %gt3A_57 : i32 to vector<32x5120xi32>
    %gt3A_59 = arith.cmpi sgt, %convert_element_type3A_56, %gt3A_58 : vector<32x5120xi32>
    %convert_element_type3A_60 = arith.extui %gt3A_59 : vector<32x5120xi1> to vector<32x5120xi32>
    %convert_element_type3A_61 = arith.sitofp %convert_element_type3A_60 : vector<32x5120xi32> to vector<32x5120xf32>
    %convert_element_type3A_62 = arith.truncf %convert_element_type3A_61 : vector<32x5120xf32> to vector<32x5120xbf16>
    %dot_general3A_63 = arith.constant dense<0.000000e+00> : vector<64x5120xf32>
    %dot_general3A_64 = tpu.matmul %convert_element_type3A_5, %convert_element_type3A_62, %dot_general3A_63 {dimension_numbers = #tpu.dot_dimension_numbers<[1], [0], [0], [1], [0, 0, 1, 1], [], []>, transpose_lhs_hint = false} : vector<64x32xbf16>, vector<32x5120xbf16>, vector<64x5120xf32> -> vector<64x5120xf32>
    %slice3A_65 = vector.extract_strided_slice %convert_element_type3A_56 {offsets = [0, 0], sizes = [1, 5120], strides = [1, 1]} : vector<32x5120xi32> to vector<1x5120xi32>
    %eq3A_66 = arith.constant 0 : i32
    %eq3A_67 = vector.broadcast %eq3A_66 : i32 to vector<1x5120xi32>
    %eq3A_68 = arith.cmpi eq, %slice3A_65, %eq3A_67 : vector<1x5120xi32>
    %convert_element_type3A_69 = arith.extui %eq3A_68 : vector<1x5120xi1> to vector<1x5120xi32>
    %convert_element_type3A_70 = arith.sitofp %convert_element_type3A_69 : vector<1x5120xi32> to vector<1x5120xf32>
    %mul3A_71 = vector.broadcast %convert_element_type3A_13 : vector<64x1xf32> to vector<64x5120xf32>
    %mul3A_72 = vector.broadcast %convert_element_type3A_70 : vector<1x5120xf32> to vector<64x5120xf32>
    %mul3A_73 = arith.mulf %mul3A_71, %mul3A_72 : vector<64x5120xf32>
    %add3A_74 = arith.addf %dot_general3A_64, %mul3A_73 : vector<64x5120xf32>
    %max3A_75 = arith.maximumf %max3A, %add3A_74 : vector<64x5120xf32>
    %get3A_76 = arith.constant 0 : index
    %get3A_77 = arith.constant 15360 : index
    %get3A_78 = vector.load %arg1[%get3A_76, %get3A_77] : memref<32x20480xi8, #tpu.memory_space<vmem>>, vector<32x5120xi8>
    %convert_element_type3A_79 = arith.extsi %get3A_78 : vector<32x5120xi8> to vector<32x5120xi32>
    %gt3A_80 = arith.constant 0 : i32
    %gt3A_81 = vector.broadcast %gt3A_80 : i32 to vector<32x5120xi32>
    %gt3A_82 = arith.cmpi sgt, %convert_element_type3A_79, %gt3A_81 : vector<32x5120xi32>
    %convert_element_type3A_83 = arith.extui %gt3A_82 : vector<32x5120xi1> to vector<32x5120xi32>
    %convert_element_type3A_84 = arith.sitofp %convert_element_type3A_83 : vector<32x5120xi32> to vector<32x5120xf32>
    %convert_element_type3A_85 = arith.truncf %convert_element_type3A_84 : vector<32x5120xf32> to vector<32x5120xbf16>
    %dot_general3A_86 = arith.constant dense<0.000000e+00> : vector<64x5120xf32>
    %dot_general3A_87 = tpu.matmul %convert_element_type3A_5, %convert_element_type3A_85, %dot_general3A_86 {dimension_numbers = #tpu.dot_dimension_numbers<[1], [0], [0], [1], [0, 0, 1, 1], [], []>, transpose_lhs_hint = false} : vector<64x32xbf16>, vector<32x5120xbf16>, vector<64x5120xf32> -> vector<64x5120xf32>
    %slice3A_88 = vector.extract_strided_slice %convert_element_type3A_79 {offsets = [0, 0], sizes = [1, 5120], strides = [1, 1]} : vector<32x5120xi32> to vector<1x5120xi32>
    %eq3A_89 = arith.constant 0 : i32
    %eq3A_90 = vector.broadcast %eq3A_89 : i32 to vector<1x5120xi32>
    %eq3A_91 = arith.cmpi eq, %slice3A_88, %eq3A_90 : vector<1x5120xi32>
    %convert_element_type3A_92 = arith.extui %eq3A_91 : vector<1x5120xi1> to vector<1x5120xi32>
    %convert_element_type3A_93 = arith.sitofp %convert_element_type3A_92 : vector<1x5120xi32> to vector<1x5120xf32>
    %mul3A_94 = vector.broadcast %convert_element_type3A_13 : vector<64x1xf32> to vector<64x5120xf32>
    %mul3A_95 = vector.broadcast %convert_element_type3A_93 : vector<1x5120xf32> to vector<64x5120xf32>
    %mul3A_96 = arith.mulf %mul3A_94, %mul3A_95 : vector<64x5120xf32>
    %add3A_97 = arith.addf %dot_general3A_87, %mul3A_96 : vector<64x5120xf32>
    %max3A_98 = arith.maximumf %max3A_75, %add3A_97 : vector<64x5120xf32>
    %iota3A = tpu.iota {dimensions = array<i32: 1>} : vector<64x5120xi32>
    %lt3A = arith.constant 5000 : i32
    %lt3A_99 = vector.broadcast %lt3A : i32 to vector<64x5120xi32>
    %lt3A_100 = arith.cmpi slt, %iota3A, %lt3A_99 : vector<64x5120xi32>
    %convert_element_type3A_101 = arith.fptosi %max3A_98 : vector<64x5120xf32> to vector<64x5120xi32>
    %mul3A_102 = arith.constant 8192 : i32
    %mul3A_103 = vector.broadcast %mul3A_102 : i32 to vector<64x5120xi32>
    %mul3A_104 = arith.muli %convert_element_type3A_101, %mul3A_103 : vector<64x5120xi32>
    %sub3A = arith.constant 8191 : i32
    %sub3A_105 = vector.broadcast %sub3A : i32 to vector<64x5120xi32>
    %sub3A_106 = arith.subi %sub3A_105, %iota3A : vector<64x5120xi32>
    %add3A_107 = arith.addi %mul3A_104, %sub3A_106 : vector<64x5120xi32>
    %jit3A = arith.constant -1 : i32
    %broadcast_in_dim3A = vector.broadcast %jit3A : i32 to vector<64x5120xi32>
    %select_n3A = arith.select %lt3A_100, %add3A_107, %broadcast_in_dim3A : vector<64x5120xi1>, vector<64x5120xi32>
    %iota3A_108 = tpu.iota {dimensions = array<i32: 1>} : vector<64x8xi32>
    %eq3A_109 = arith.constant 0 : i32
    %eq3A_110 = vector.broadcast %eq3A_109 : i32 to vector<64x8xi32>
    %eq3A_111 = arith.cmpi eq, %iota3A_108, %eq3A_110 : vector<64x8xi32>
    %get3A_112 = arith.constant 0 : index
    %get3A_113 = arith.constant 0 : index
    %get3A_114 = vector.load %arg2[%get3A_112, %get3A_113] : memref<64x1xi32, #tpu.memory_space<vmem>>, vector<64x1xi32>
    %jit3A_115 = arith.constant 0 : i32
    %broadcast_in_dim3A_116 = vector.shape_cast %get3A_114 : vector<64x1xi32> to vector<64x1xi32>
    %broadcast_in_dim3A_117 = vector.broadcast %broadcast_in_dim3A_116 : vector<64x1xi32> to vector<64x8xi32>
    %broadcast_in_dim3A_118 = vector.broadcast %jit3A_115 : i32 to vector<64x8xi32>
    %select_n3A_119 = arith.select %eq3A_111, %broadcast_in_dim3A_117, %broadcast_in_dim3A_118 : vector<64x8xi1>, vector<64x8xi32>
    %reduce_max3A = arith.constant dense<-2147483648> : vector<64xi32>
    %reduce_max3A_120 = vector.multi_reduction <maxsi>, %select_n3A, %reduce_max3A [1] : vector<64x5120xi32> to vector<64xi32>
    %broadcast_in_dim3A_121 = vector.shape_cast %reduce_max3A_120 : vector<64xi32> to vector<64x1xi32>
    %and3A = arith.constant 8191 : i32
    %and3A_122 = vector.broadcast %and3A : i32 to vector<64x1xi32>
    %and3A_123 = arith.andi %broadcast_in_dim3A_121, %and3A_122 : vector<64x1xi32>
    %sub3A_124 = arith.constant 8191 : i32
    %sub3A_125 = vector.broadcast %sub3A_124 : i32 to vector<64x1xi32>
    %sub3A_126 = arith.subi %sub3A_125, %and3A_123 : vector<64x1xi32>
    %eq3A_127 = arith.constant 1 : i32
    %eq3A_128 = vector.broadcast %eq3A_127 : i32 to vector<64x8xi32>
    %eq3A_129 = arith.cmpi eq, %iota3A_108, %eq3A_128 : vector<64x8xi32>
    %add3A_130 = arith.constant 50000 : i32
    %add3A_131 = vector.broadcast %add3A_130 : i32 to vector<64x1xi32>
    %add3A_132 = arith.addi %sub3A_126, %add3A_131 : vector<64x1xi32>
    %broadcast_in_dim3A_133 = vector.shape_cast %add3A_132 : vector<64x1xi32> to vector<64x1xi32>
    %broadcast_in_dim3A_134 = vector.broadcast %broadcast_in_dim3A_133 : vector<64x1xi32> to vector<64x8xi32>
    %select_n3A_135 = arith.select %eq3A_129, %broadcast_in_dim3A_134, %select_n3A_119 : vector<64x8xi1>, vector<64x8xi32>
    %lt3A_136 = vector.broadcast %broadcast_in_dim3A_121 : vector<64x1xi32> to vector<64x5120xi32>
    %lt3A_137 = arith.cmpi slt, %select_n3A, %lt3A_136 : vector<64x5120xi32>
    %jit3A_138 = arith.constant -1 : i32
    %broadcast_in_dim3A_139 = vector.broadcast %jit3A_138 : i32 to vector<64x5120xi32>
    %select_n3A_140 = arith.select %lt3A_137, %select_n3A, %broadcast_in_dim3A_139 : vector<64x5120xi1>, vector<64x5120xi32>
    %reduce_max3A_141 = arith.constant dense<-2147483648> : vector<64xi32>
    %reduce_max3A_142 = vector.multi_reduction <maxsi>, %select_n3A_140, %reduce_max3A_141 [1] : vector<64x5120xi32> to vector<64xi32>
    %broadcast_in_dim3A_143 = vector.shape_cast %reduce_max3A_142 : vector<64xi32> to vector<64x1xi32>
    %and3A_144 = arith.constant 8191 : i32
    %and3A_145 = vector.broadcast %and3A_144 : i32 to vector<64x1xi32>
    %and3A_146 = arith.andi %broadcast_in_dim3A_143, %and3A_145 : vector<64x1xi32>
    %sub3A_147 = arith.constant 8191 : i32
    %sub3A_148 = vector.broadcast %sub3A_147 : i32 to vector<64x1xi32>
    %sub3A_149 = arith.subi %sub3A_148, %and3A_146 : vector<64x1xi32>
    %eq3A_150 = arith.constant 2 : i32
    %eq3A_151 = vector.broadcast %eq3A_150 : i32 to vector<64x8xi32>
    %eq3A_152 = arith.cmpi eq, %iota3A_108, %eq3A_151 : vector<64x8xi32>
    %add3A_153 = arith.constant 50000 : i32
    %add3A_154 = vector.broadcast %add3A_153 : i32 to vector<64x1xi32>
    %add3A_155 = arith.addi %sub3A_149, %add3A_154 : vector<64x1xi32>
    %broadcast_in_dim3A_156 = vector.shape_cast %add3A_155 : vector<64x1xi32> to vector<64x1xi32>
    %broadcast_in_dim3A_157 = vector.broadcast %broadcast_in_dim3A_156 : vector<64x1xi32> to vector<64x8xi32>
    %select_n3A_158 = arith.select %eq3A_152, %broadcast_in_dim3A_157, %select_n3A_135 : vector<64x8xi1>, vector<64x8xi32>
    %lt3A_159 = vector.broadcast %broadcast_in_dim3A_143 : vector<64x1xi32> to vector<64x5120xi32>
    %lt3A_160 = arith.cmpi slt, %select_n3A, %lt3A_159 : vector<64x5120xi32>
    %jit3A_161 = arith.constant -1 : i32
    %broadcast_in_dim3A_162 = vector.broadcast %jit3A_161 : i32 to vector<64x5120xi32>
    %select_n3A_163 = arith.select %lt3A_160, %select_n3A, %broadcast_in_dim3A_162 : vector<64x5120xi1>, vector<64x5120xi32>
    %reduce_max3A_164 = arith.constant dense<-2147483648> : vector<64xi32>
    %reduce_max3A_165 = vector.multi_reduction <maxsi>, %select_n3A_163, %reduce_max3A_164 [1] : vector<64x5120xi32> to vector<64xi32>
    %broadcast_in_dim3A_166 = vector.shape_cast %reduce_max3A_165 : vector<64xi32> to vector<64x1xi32>
    %and3A_167 = arith.constant 8191 : i32
    %and3A_168 = vector.broadcast %and3A_167 : i32 to vector<64x1xi32>
    %and3A_169 = arith.andi %broadcast_in_dim3A_166, %and3A_168 : vector<64x1xi32>
    %sub3A_170 = arith.constant 8191 : i32
    %sub3A_171 = vector.broadcast %sub3A_170 : i32 to vector<64x1xi32>
    %sub3A_172 = arith.subi %sub3A_171, %and3A_169 : vector<64x1xi32>
    %eq3A_173 = arith.constant 3 : i32
    %eq3A_174 = vector.broadcast %eq3A_173 : i32 to vector<64x8xi32>
    %eq3A_175 = arith.cmpi eq, %iota3A_108, %eq3A_174 : vector<64x8xi32>
    %add3A_176 = arith.constant 50000 : i32
    %add3A_177 = vector.broadcast %add3A_176 : i32 to vector<64x1xi32>
    %add3A_178 = arith.addi %sub3A_172, %add3A_177 : vector<64x1xi32>
    %broadcast_in_dim3A_179 = vector.shape_cast %add3A_178 : vector<64x1xi32> to vector<64x1xi32>
    %broadcast_in_dim3A_180 = vector.broadcast %broadcast_in_dim3A_179 : vector<64x1xi32> to vector<64x8xi32>
    %select_n3A_181 = arith.select %eq3A_175, %broadcast_in_dim3A_180, %select_n3A_158 : vector<64x8xi1>, vector<64x8xi32>
    %lt3A_182 = vector.broadcast %broadcast_in_dim3A_166 : vector<64x1xi32> to vector<64x5120xi32>
    %lt3A_183 = arith.cmpi slt, %select_n3A, %lt3A_182 : vector<64x5120xi32>
    %jit3A_184 = arith.constant -1 : i32
    %broadcast_in_dim3A_185 = vector.broadcast %jit3A_184 : i32 to vector<64x5120xi32>
    %select_n3A_186 = arith.select %lt3A_183, %select_n3A, %broadcast_in_dim3A_185 : vector<64x5120xi1>, vector<64x5120xi32>
    %reduce_max3A_187 = arith.constant dense<-2147483648> : vector<64xi32>
    %reduce_max3A_188 = vector.multi_reduction <maxsi>, %select_n3A_186, %reduce_max3A_187 [1] : vector<64x5120xi32> to vector<64xi32>
    %broadcast_in_dim3A_189 = vector.shape_cast %reduce_max3A_188 : vector<64xi32> to vector<64x1xi32>
    %and3A_190 = arith.constant 8191 : i32
    %and3A_191 = vector.broadcast %and3A_190 : i32 to vector<64x1xi32>
    %and3A_192 = arith.andi %broadcast_in_dim3A_189, %and3A_191 : vector<64x1xi32>
    %sub3A_193 = arith.constant 8191 : i32
    %sub3A_194 = vector.broadcast %sub3A_193 : i32 to vector<64x1xi32>
    %sub3A_195 = arith.subi %sub3A_194, %and3A_192 : vector<64x1xi32>
    %eq3A_196 = arith.constant 4 : i32
    %eq3A_197 = vector.broadcast %eq3A_196 : i32 to vector<64x8xi32>
    %eq3A_198 = arith.cmpi eq, %iota3A_108, %eq3A_197 : vector<64x8xi32>
    %add3A_199 = arith.constant 50000 : i32
    %add3A_200 = vector.broadcast %add3A_199 : i32 to vector<64x1xi32>
    %add3A_201 = arith.addi %sub3A_195, %add3A_200 : vector<64x1xi32>
    %broadcast_in_dim3A_202 = vector.shape_cast %add3A_201 : vector<64x1xi32> to vector<64x1xi32>
    %broadcast_in_dim3A_203 = vector.broadcast %broadcast_in_dim3A_202 : vector<64x1xi32> to vector<64x8xi32>
    %select_n3A_204 = arith.select %eq3A_198, %broadcast_in_dim3A_203, %select_n3A_181 : vector<64x8xi1>, vector<64x8xi32>
    %lt3A_205 = vector.broadcast %broadcast_in_dim3A_189 : vector<64x1xi32> to vector<64x5120xi32>
    %lt3A_206 = arith.cmpi slt, %select_n3A, %lt3A_205 : vector<64x5120xi32>
    %jit3A_207 = arith.constant -1 : i32
    %broadcast_in_dim3A_208 = vector.broadcast %jit3A_207 : i32 to vector<64x5120xi32>
    %select_n3A_209 = arith.select %lt3A_206, %select_n3A, %broadcast_in_dim3A_208 : vector<64x5120xi1>, vector<64x5120xi32>
    %reduce_max3A_210 = arith.constant dense<-2147483648> : vector<64xi32>
    %reduce_max3A_211 = vector.multi_reduction <maxsi>, %select_n3A_209, %reduce_max3A_210 [1] : vector<64x5120xi32> to vector<64xi32>
    %broadcast_in_dim3A_212 = vector.shape_cast %reduce_max3A_211 : vector<64xi32> to vector<64x1xi32>
    %and3A_213 = arith.constant 8191 : i32
    %and3A_214 = vector.broadcast %and3A_213 : i32 to vector<64x1xi32>
    %and3A_215 = arith.andi %broadcast_in_dim3A_212, %and3A_214 : vector<64x1xi32>
    %sub3A_216 = arith.constant 8191 : i32
    %sub3A_217 = vector.broadcast %sub3A_216 : i32 to vector<64x1xi32>
    %sub3A_218 = arith.subi %sub3A_217, %and3A_215 : vector<64x1xi32>
    %eq3A_219 = arith.constant 5 : i32
    %eq3A_220 = vector.broadcast %eq3A_219 : i32 to vector<64x8xi32>
    %eq3A_221 = arith.cmpi eq, %iota3A_108, %eq3A_220 : vector<64x8xi32>
    %add3A_222 = arith.constant 50000 : i32
    %add3A_223 = vector.broadcast %add3A_222 : i32 to vector<64x1xi32>
    %add3A_224 = arith.addi %sub3A_218, %add3A_223 : vector<64x1xi32>
    %broadcast_in_dim3A_225 = vector.shape_cast %add3A_224 : vector<64x1xi32> to vector<64x1xi32>
    %broadcast_in_dim3A_226 = vector.broadcast %broadcast_in_dim3A_225 : vector<64x1xi32> to vector<64x8xi32>
    %select_n3A_227 = arith.select %eq3A_221, %broadcast_in_dim3A_226, %select_n3A_204 : vector<64x8xi1>, vector<64x8xi32>
    %swap3A = arith.constant 0 : index
    %swap3A_228 = arith.constant 0 : index
    %swap3A_229 = vector.load %arg3[%swap3A, %swap3A_228] : memref<64x8xi32, #tpu.memory_space<vmem>>, vector<64x8xi32>
    tpu.vector_store %arg3[%swap3A, %swap3A_228], %select_n3A_227 {strides = array<i32>} : memref<64x8xi32, #tpu.memory_space<vmem>>, vector<64x8xi32>,
    return
  }
}

module attributes {stable_mosaic.version = 14 : i64} {
  func.func @_mlp_body(%arg0: memref<64x256xf32, #tpu.memory_space<vmem>>, %arg1: memref<128x256xf32, #tpu.memory_space<vmem>>, %arg2: memref<1x128xf32, #tpu.memory_space<vmem>>, %arg3: memref<64x128xf32, #tpu.memory_space<vmem>>) attributes {dimension_semantics = [], scalar_prefetch = 0 : i64, scratch_operands = 0 : i64, tpu.core_type = #tpu.core_type<tc>} {
    %get3A = arith.constant 0 : index
    %get3A_0 = arith.constant 0 : index
    %get3A_1 = vector.load %arg0[%get3A, %get3A_0] : memref<64x256xf32, #tpu.memory_space<vmem>>, vector<64x256xf32>
    %get3A_2 = arith.constant 0 : index
    %get3A_3 = arith.constant 0 : index
    %get3A_4 = vector.load %arg1[%get3A_2, %get3A_3] : memref<128x256xf32, #tpu.memory_space<vmem>>, vector<128x256xf32>
    %dot_general3A = arith.constant dense<0.000000e+00> : vector<64x128xf32>
    %dot_general3A_5 = tpu.matmul %get3A_1, %get3A_4, %dot_general3A {dimension_numbers = #tpu.dot_dimension_numbers<[1], [1], [0], [0], [0, 0, 1, 0], [], []>, transpose_lhs_hint = false} : vector<64x256xf32>, vector<128x256xf32>, vector<64x128xf32> -> vector<64x128xf32>
    %get3A_6 = arith.constant 0 : index
    %get3A_7 = arith.constant 0 : index
    %get3A_8 = vector.load %arg2[%get3A_6, %get3A_7] : memref<1x128xf32, #tpu.memory_space<vmem>>, vector<1x128xf32>
    %add3A = vector.broadcast %get3A_8 : vector<1x128xf32> to vector<64x128xf32>
    %add3A_9 = arith.addf %dot_general3A_5, %add3A : vector<64x128xf32>
    %max3A = arith.constant 0.000000e+00 : f32
    %max3A_10 = vector.broadcast %max3A : f32 to vector<64x128xf32>
    %max3A_11 = arith.maximumf %add3A_9, %max3A_10 : vector<64x128xf32>
    %swap3A = arith.constant 0 : index
    %swap3A_12 = arith.constant 0 : index
    %swap3A_13 = vector.load %arg3[%swap3A, %swap3A_12] : memref<64x128xf32, #tpu.memory_space<vmem>>, vector<64x128xf32>
    tpu.vector_store %arg3[%swap3A, %swap3A_12], %max3A_11 {strides = array<i32>} : memref<64x128xf32, #tpu.memory_space<vmem>>, vector<64x128xf32>,
    return
  }
}

</mosaic_0001>

<sc_bundles>
// kernel: kernel.5.cloned.1.call-start
scs
__scs_entry_jumppad:
0x0: {  	(pc) =	sbr.rel $0x88, $3  }
0x1: {  	(tag) =	ssettag $0x0;
	lr =	simm.s32 $0x1  }
0x2: {  	[smem:$0x3F9B] =	sst lr;
	_ =	strace $0xD0000000  }
0x3: {  	_ = 	snop  }
0x4: {  	_ = 	snop  }
0x5: {  	_ = 	snop  }
0x6: {  	_ = 	snop  }
0x7: {  	_ = 	snop  }
__scs_overlays_trampoline_lowered:
0x8: {  	[smem:$0x3FAA] =	sst s0  }
0x9: {  	[smem:$0x3FAB] =	sst s1  }
0xa: {  	[smem:$0x3FAC] =	sst s2  }
0xb: {  	[smem:$0x3FAD] =	sst s3  }
0xc: {  	[smem:$0x3FAE] =	sst s4  }
0xd: {  	[smem:$0x3FAF] =	sst s5  }
0xe: {  	[smem:$0x3FB0] =	sst s6  }
0xf: {  	[smem:$0x3FB1] =	sst s7  }
0x10: {  	[smem:$0x3FB2] =	sst s8  }
0x11: {  	[smem:$0x3FB3] =	sst s9;
	s0 =	simm.s32 @!p0 $0x0  }
0x12: {  	s1 =	sld [smem:$0x3F99];
	s0 =	simm.s32 @p0 $0x1  }
0x13: {  	[smem:$0x3FB4] =	sst s0;
	s0 =	simm.s32 @!p1 $0x0  }
0x14: {  	s2 =	sld [smem:$0x3F98];
	s0 =	simm.s32 @p1 $0x1  }
0x15: {  	[smem:$0x3FB5] =	sst s0;
	s0 =	simm.s32 @!p2 $0x0  }
0x16: {  	s3 =	sld [smem:$0x3FDB];
	s0 =	simm.s32 @p2 $0x1  }
0x17: {  	s4 =	simm.s32 $0x1BF5;
	[smem:$0x3FB7] =	sst s0  }
0x18: {  	s0 =	sld [smem:$0x3F9A];
	_ =	swait.ge [sflag:s4], $0x0  }
0x19: {  	s7 =	sld [smem:$0x3F9B]  }
0x1a: {  	s8 =	sadd.s32 $0xFFFFE003, lr  }
0x1b: {  	s9 =	sadd.s32 $0xFFFFFEF7, lr;
	s5 =	simm.s32 $0xFFFFFFFF;
	p2 =	slt.u32 s8, $0xFFFFF086  }
0x1c: {  	p1 =	slt.u32 s9, $0xF7A;
	s5 =	simm.s32 @!p2 $0x0  }
0x1d: {  	s5 =	simm.s32 @p1 $0x1;
	p0 =	seq.s32 s7, s2  }
0x1e: {  	s7 =	smul.u32 @!p0 $0xF7A, s2;
	p2 =	seq.s32 @!p0 s5, $0x0  }
0x1f: {  	s9 =	smul.u32 $0xF7A, s1;
	s8 =	simm.s32 @!p0 $0x1BF5;
	p2 =	por !p2, p0  }
0x20: {  	[sflag:s8] =	ssyncset.s32 @!p0 $0xFFFFF086;
	s6 =	sadd.s32 @!p0 s3, s7;
	s7 =	simm.s32 @!p0 $0x108  }
0x21: {  	s3 =	sadd.s32 s3, s9;
	s6 =	sadd.s32 @!p0 $0x88, s6;
	s7 =	simm.s32 @p2 $0x1082  }
0x22: {  	[simem:s7], [sflag:s8] =	dma.local @!p0 [hbm:s6], $0xF7A  }
0x23: {  	s9 =	sor.u32 $0xD0000000, s2;
	s6 =	simm.s32 $0x108;
	_ =	swait.ge @!p0 [sflag:s8], $0x0  }
0x24: {  	s3 =	sadd.s32 $0x88, s3;
	s6 =	simm.s32 @!p1 $0x1082;
	[sflag:s4] =	ssyncset.s32 $0xFFFFF086  }
0x25: {  	[simem:s6], [sflag:s4] =	dma.local [hbm:s3], $0xF7A  }
0x26: {  	[smem:$0x3F9B] =	sst s1;
	(tag) =	ssettag s2;
	_ =	strace s9  }
0x27: {  	s1 =	sld [smem:$0x3FAB]  }
0x28: {  	s2 =	sld [smem:$0x3FAC]  }
0x29: {  	s4 =	sld [smem:$0x3FAE]  }
0x2a: {  	p0 =	seq.s32 s5, $0x0;
	s5 =	sld [smem:$0x3FAF]  }
0x2b: {  	s6 =	sld [smem:$0x3FB0]  }
0x2c: {  	s7 =	sld [smem:$0x3FB1]  }
0x2d: {  	s3 =	simm.s32 $0x108;
	s8 =	sld [smem:$0x3FB2]  }
0x2e: {  	s3 =	simm.s32 @!p0 $0x1082;
	s9 =	sld [smem:$0x3FB3]  }
0x2f: {  	lr =	sadd.s32 s0, s3;
	s0 =	sld [smem:$0x3FAA]  }
0x30: {  	s3 =	sld [smem:$0x3FAD]  }
0x31: {  	[smem:$0x3FB6] =	sst s10  }
0x32: {  	s10 =	sld [smem:$0x3FB4];
	_ =	sdelay $0x3  }
0x33: {  	p0 =	seq.s32 s10, $0x1;
	s10 =	sld [smem:$0x3FB6];
	_ =	sdelay $0x3  }
0x34: {  	[smem:$0x3FB6] =	sst s10  }
0x35: {  	s10 =	sld [smem:$0x3FB5];
	_ =	sdelay $0x3  }
0x36: {  	p1 =	seq.s32 s10, $0x1;
	s10 =	sld [smem:$0x3FB6];
	_ =	sdelay $0x3  }
0x37: {  	[smem:$0x3FB6] =	sst s10  }
0x38: {  	s10 =	sld [smem:$0x3FB7]  }
0x39: {  	_ = 	snop;
	(pc) =	sbr.ind lr, $3  }
0x3a: {  	_ = 	snop  }
0x3b: {  	_ = 	snop  }
0x3c: {  	p2 =	seq.s32 s10, $0x1;
	s10 =	sld [smem:$0x3FB6]  }
0x3d: {  	_ =	shalt  }
0x3e: {  	_ =	shalt  }
0x3f: {  	_ =	shalt  }
0x40: {  	_ =	shalt  }
0x41: {  	_ =	shalt  }
0x42: {  	_ =	shalt  }
0x43: {  	_ =	shalt  }
0x44: {  	_ =	shalt  }
0x45: {  	_ =	shalt  }
0x46: {  	_ =	shalt  }
0x47: {  	_ =	shalt  }
0x48: {  	_ =	shalt  }
0x49: {  	_ =	shalt  }
0x4a: {  	_ =	shalt  }
0x4b: {  	_ =	shalt  }
0x4c: {  	_ =	shalt  }
0x4d: {  	_ =	shalt  }
0x4e: {  	_ =	shalt  }
0x4f: {  	_ =	shalt  }
0x50: {  	_ =	shalt  }
0x51: {  	_ =	shalt  }
0x52: {  	_ =	shalt  }
0x53: {  	_ =	shalt  }
0x54: {  	_ =	shalt  }
0x55: {  	_ =	shalt  }
0x56: {  	_ =	shalt  }
0x57: {  	_ =	shalt  }
0x58: {  	_ =	shalt  }
0x59: {  	_ =	shalt  }
0x5a: {  	_ =	shalt  }
0x5b: {  	_ =	shalt  }
0x5c: {  	_ =	shalt  }
0x5d: {  	_ =	shalt  }
0x5e: {  	_ =	shalt  }
0x5f: {  	_ =	shalt  }
0x60: {  	_ =	shalt  }
0x61: {  	_ =	shalt  }
0x62: {  	_ =	shalt  }
0x63: {  	_ =	shalt  }
0x64: {  	_ =	shalt  }
0x65: {  	_ =	shalt  }
0x66: {  	_ =	shalt  }
0x67: {  	_ =	shalt  }
0x68: {  	_ =	shalt  }
0x69: {  	_ =	shalt  }
0x6a: {  	_ =	shalt  }
0x6b: {  	_ =	shalt  }
0x6c: {  	_ =	shalt  }
0x6d: {  	_ =	shalt  }
0x6e: {  	_ =	shalt  }
0x6f: {  	_ =	shalt  }
0x70: {  	_ =	shalt  }
0x71: {  	_ =	shalt  }
0x72: {  	_ =	shalt  }
0x73: {  	_ =	shalt  }
0x74: {  	_ =	shalt  }
0x75: {  	_ =	shalt  }
0x76: {  	_ =	shalt  }
0x77: {  	_ =	shalt  }
0x78: {  	_ =	shalt  }
0x79: {  	_ =	shalt  }
0x7a: {  	_ =	shalt  }
0x7b: {  	_ =	shalt  }
0x7c: {  	_ =	shalt  }
0x7d: {  	_ =	shalt  }
0x7e: {  	_ =	shalt  }
0x7f: {  	_ =	shalt  }
0x80: {  	_ =	shalt  }
0x81: {  	_ =	shalt  }
0x82: {  	_ =	shalt  }
0x83: {  	_ =	shalt  }
0x84: {  	_ =	shalt  }
0x85: {  	_ =	shalt  }
0x86: {  	_ =	shalt  }
0x87: {  	_ =	shalt  }
.Lfunc_end0:
.L_simem_size_0:
called_computation_lowered:
.L_overlay_start_0:
0x88: {  	s2 =	sld [smem:$0x3FD9]  }
0x89: {  	s3 =	sld [smem:$0x3FFE];
	_ =	sdelay $0x1  }
0x8a: {  	s1 =	srdreg.scid  }
0x8b: {  	s0 =	sand.u32 $0x1, s1  }
0x8c: {  	s17 =	sshll.u32 s0, $0xA;
	s2 =	sadd.s32 s3, s2  }
0x8d: {  	s2 =	sadd.s32 s2, s17  }
0x8e: {  	[smem:$0x3FC2] =	sst s2  }
0x8f: {  	_ = 	snop  }
0x90: {  	s2 =	sld [smem:$0x3FC6]  }
0x91: {  	s18 =	sld [smem:$0x3FD0];
	(tm) =	ssettm $0x1  }
0x92: {  	s4 =	sld [smem:$0x3FFB];
	_ =	sdelay $0x3  }
0x93: {  	_ =	strace s4  }
0x94: {  	s4 =	sld [smem:$0x3FFC];
	_ =	sdelay $0x3  }
0x95: {  	_ =	strace s4  }
0x96: {  	s4 =	sld [smem:$0x3FFD];
	_ =	sdelay $0x3  }
0x97: {  	_ =	strace s4  }
0x98: {  	_ =	strace $0x8FFFFFFF  }
0x99: {  	s19 =	sld [smem:$0x3FDB];
	_ =	sdelay $0x1  }
0x9a: {  	s5 =	simm.s32 $_scs_section_size  }
0x9b: {  	s6 =	simm.s32 $_size__tile_overlayer_lowered;
	s7 =	simm.s32 $_tile_overlayer_lowered  }
0x9c: {  	s22 =	simm.s32 $0x1BFF;
	s21 =	sshll.u32 s7, $0x1;
	s4 =	sadd.s32 s5, s19  }
0x9d: {  	s8 =	simm.s32 $0x0;
	s20 =	sshll.u32 s6, $0x1;
	s6 =	sadd.s32 s21, s4  }
0x9e: {  	[timem:s8], [sflag:s22] =	dma.local [hbm:s6], s20  }
0x9f: {  	_ =	swait.ge [sflag:s22], s20  }
0xa0: {  	s5 =	ssub.s32 $0x0, s20;
	[sflag:s22] =	ssyncset.done $0x0  }
0xa1: {  	[sflag:s22] =	ssyncadd.s32 s5;
	_ =	sdelay $0x1  }
0xa2: {  	s23 =	simm.s32 $0x1B8B  }
0xa3: {  	_ =	swait.ge [sflag:s23], $0x1  }
0xa4: {  	[sflag:s23] =	ssyncset.done $0x0  }
0xa5: {  	s25 =	simm.s32 $0x1B8E;
	s24 =	sld [smem:$0x3FFE];
	[sflag:s23] =	ssyncadd.s32 $0xFFFFFFFF  }
0xa6: {  	s26 =	simm.s32 $execute0_lowered;
	[smem:$0x3FD2] =	sst s25  }
0xa7: {  	s6 =	sshll.u32 s26, $0x1;
	_ =	strace $0x80000046;
	[dreg:$0x1] =	wrdreg $0xFFFFFFFF  }
0xa8: {  	s28 =	simm.s32 $_size_execute0_lowered;
	s4 =	sadd.s32 s4, s6;
	[dreg:$0x0] =	wrdreg $0x0  }
0xa9: {  	s6 =	sshll.u32 s28, $0x1;
	[dreg:$0x2] =	wrdreg s4  }
0xaa: {  	[dreg:$0x3] =	wrdreg s6  }
0xab: {  	[dreg:$0x4] =	wrdreg $0xC0  }
0xac: {  	_ =	task [dreg:s8], $0x5FFFF  }
0xad: {  	[dreg:$0x1] =	wrdreg $0xFFFFFFFF  }
0xae: {  	[dreg:$0x0] =	wrdreg $0x60  }
0xaf: {  	[dreg:$0x2] =	wrdreg s2  }
0xb0: {  	[dreg:$0x3] =	wrdreg s18  }
0xb1: {  	[dreg:$0x4] =	wrdreg s24  }
0xb2: {  	[dreg:$0x5] =	wrdreg $0x9  }
0xb3: {  	_ =	task.clear_ibuf [dreg:s8], $0x6FFFF;
	_ =	strace $0x90000046  }
0xb4: {  	s29 =	simm.s32 $0x9;
	_ =	strace $0x80000048  }
0xb5: {  	_ =	swait.ge [sflag:s29], $0x1  }
0xb6: {  	[sflag:s29] =	ssyncadd.s32 $0xFFFFFFFF  }
0xb7: {  	_ =	strace $0x90000048  }
0xb8: {  	_ =	sfence  }
0xb9: {  	s30 =	sld [smem:$0x0];
	_ =	sdelay $0x2  }
0xba: {  	s31 =	sshll.u32 s1, $0xD;
	s1 =	sshrl.u32 s1, $0x2  }
0xbb: {  	s3 =	sand.u32 $0x4000, s31;
	s1 =	sadd.s32 s1, s30  }
0xbc: {  	s0 =	sor.u32 s3, s0;
	s1 =	sshll.u32 s1, $0x11  }
0xbd: {  	s0 =	sor.u32 s1, s0  }
0xbe: {  	s0 =	sadd.s32 $0x8F2B, s0  }
0xbf: {  	[sflag:s0] =	ssyncadd.remote.s32 $0x1  }
0xc0: {  	_ =	sfence.sel $0xFFFF  }
0xc1: {  	[dreg:$0x0] =	wrdreg $0xFFFFFFFF;
	(pc) =	sbr.abs _section_cstart, $3  }
0xc2: {  	[dreg:$0x1] =	wrdreg $0xFFFFFFFF  }
0xc3: {  	_ =	task.clear_ibuf [dreg:s8], $0x2FFFF;
	_ =	strace $0x9FFFFFFF  }
0xc4: {  	(tm) =	ssettm $0x7FFFFFFF  }
0xc5: {  	_ =	shalt  }
tec
execute0_lowered:
.L_overlay_start_1:
0x0: {  	(tag) =	ssettag $0x1  }
0x1: {  	s1 =	rddreg [dreg:$0x0]  }
0x2: {  	s4 =	rddreg [dreg:$0x1]  }
0x3: {  	s5 =	rddreg [dreg:$0x2]  }
0x4: {  	s0 =	rddreg [dreg:$0x3]  }
0x5: {  	s6 =	srdreg.scid;
	s2 =	stileid.u32  }
0x6: {  	s3 =	simm.s32 $0x0;
	s10 =	simm.s32 $0x80;
	s11 =	simm.s32 $0x500  }
0x7: {  	s12 =	simm.s32 $0x1;
	s13 =	simm.s32 $0x400;
	s14 =	simm.s32 $0x900  }
0x8: {  	s6 =	sand.u32 $0x1, s6;
	s7 =	sshll.u32 s2, $0x9;
	s9 =	sshrl.u32 s2, $0x1  }
0x9: {  	[smem:$0x7FF] =	sst s3;
	s8 =	sshll.u32 s6, $0x8;
	s7 =	sand.u32 $0x200, s7  }
0xa: {  	s30 =	sshll.u32 s9, $0xB;
	_ =	strace $0x80000047;
	s6 =	ssub.s32 $0x2, s6  }
0xb: {  	s9 =	sshll.u32 s9, $0xA;
	s7 =	sor.u32 s8, s7;
	s31 =	sshrl.u32 s6, $0x1  }
0xc: {  	s8 =	sor.u32 s30, s7;
	s7 =	sor.u32 s9, s7;
	s6 =	ssub.s32 s6, s31  }
0xd: {  	s9 =	simm.s32 $0x100;
	s8 =	sshrl.u32 s8, $0x3;
	s7 =	sshrl.u32 s7, $0x3  }
0xe: {  	s6 =	smax.u32 s6, $0x1;
	s5 =	sadd.s32 s8, s5;
	s4 =	sadd.s32 s4, s7  }
0xf: {  	s7 =	simm.s32 $0x2;
	s8 =	simm.s32 $0x8;
	s5 =	sadd.s32 $0xC00, s5  }
.LBB2_1:
0x10: {  	[tilespmem:s3], [sflag:$0x2] =	stream.linear.gather [hbm4b:s4+s3], $0x100, $0x38;
	[tilespmem:$0xB00] =	vst v63  }
0x11: {  	_ =	swait.ge [sflag:s7], $0x100  }
0x12: {  	[sflag:s7] =	ssyncset.done $0x0  }
0x13: {  	[sflag:s7] =	ssyncadd.s32 $0xFFFFFF00  }
0x14: {  	[tilespmem:s9], [sflag:$0x1] =	stream.indirect.gather [hbm4b:s1+s8], $0x80, s3, s8, $0xb8;
	[tilespmem:$0xB00] =	vst v63  }
0x15: {  	_ = 	snop  }
0x16: {  	[tilespmem:s11], [sflag:$0x1] =	stream.indirect.gather [hbm4b:s1+s8], $0x80, s10, s8, $0xb8;
	[tilespmem:$0xB00] =	vst v63  }
0x17: {  	_ =	swait.ge [sflag:s12], $0x400  }
0x18: {  	[sflag:s12] =	ssyncset.done $0x0  }
0x19: {  	[sflag:s12] =	ssyncadd.s32 $0xFFFFFC00  }
0x1a: {  	_ =	swait.ge [sflag:s12], $0x400  }
0x1b: {  	[sflag:s12] =	ssyncset.done $0x0  }
0x1c: {  	[sflag:s12] =	ssyncadd.s32 $0xFFFFFC00  }
0x1d: {  	v0 =	vld [tilespmem:$0x180]  }
0x1e: {  	v1 =	vld [tilespmem:$0x200]  }
0x1f: {  	v2 =	vld [tilespmem:$0x280]  }
0x20: {  	v3 =	vld [tilespmem:$0x300]  }
0x21: {  	v4 =	vld [tilespmem:$0x380]  }
0x22: {  	v5 =	vld [tilespmem:$0x100]  }
0x23: {  	v6 =	vld [tilespmem:$0x190]  }
0x24: {  	v7 =	vld [tilespmem:$0x210]  }
0x25: {  	v8 =	vld [tilespmem:$0x290]  }
0x26: {  	v9 =	vld [tilespmem:$0x310]  }
0x27: {  	v10 =	vld [tilespmem:$0x390]  }
0x28: {  	v11 =	vld [tilespmem:$0x110]  }
0x29: {  	v12 =	vld [tilespmem:$0x1A0]  }
0x2a: {  	v13 =	vld [tilespmem:$0x220]  }
0x2b: {  	v14 =	vld [tilespmem:$0x2A0]  }
0x2c: {  	v15 =	vld [tilespmem:$0x320]  }
0x2d: {  	v16 =	vld [tilespmem:$0x3A0]  }
0x2e: {  	v17 =	vld [tilespmem:$0x120]  }
0x2f: {  	v18 =	vld [tilespmem:$0x1B0]  }
0x30: {  	v19 =	vld [tilespmem:$0x230]  }
0x31: {  	v20 =	vld [tilespmem:$0x2B0]  }
0x32: {  	v21 =	vld [tilespmem:$0x330]  }
0x33: {  	v22 =	vld [tilespmem:$0x3B0]  }
0x34: {  	v23 =	vld [tilespmem:$0x130]  }
0x35: {  	v24 =	vld [tilespmem:$0x1C0]  }
0x36: {  	v25 =	vld [tilespmem:$0x240]  }
0x37: {  	v26 =	vld [tilespmem:$0x2C0]  }
0x38: {  	v27 =	vld [tilespmem:$0x340]  }
0x39: {  	v28 =	vld [tilespmem:$0x3C0]  }
0x3a: {  	v29 =	vld [tilespmem:$0x140]  }
0x3b: {  	v30 =	vld [tilespmem:$0x1D0]  }
0x3c: {  	v31 =	vld [tilespmem:$0x250]  }
0x3d: {  	v32 =	vld [tilespmem:$0x2D0]  }
0x3e: {  	v33 =	vld [tilespmem:$0x350]  }
0x3f: {  	v34 =	vld [tilespmem:$0x3D0]  }
0x40: {  	v35 =	vld [tilespmem:$0x150]  }
0x41: {  	v36 =	vld [tilespmem:$0x1E0]  }
0x42: {  	v37 =	vld [tilespmem:$0x260]  }
0x43: {  	v38 =	vld [tilespmem:$0x2E0]  }
0x44: {  	v39 =	vld [tilespmem:$0x360]  }
0x45: {  	v40 =	vld [tilespmem:$0x3E0]  }
0x46: {  	v41 =	vld [tilespmem:$0x160]  }
0x47: {  	v42 =	vld [tilespmem:$0x1F0]  }
0x48: {  	v43 =	vld [tilespmem:$0x270]  }
0x49: {  	v44 =	vld [tilespmem:$0x2F0]  }
0x4a: {  	v45 =	vld [tilespmem:$0x370]  }
0x4b: {  	v46 =	vld [tilespmem:$0x3F0]  }
0x4c: {  	v47 =	vld [tilespmem:$0x170]  }
0x4d: {  	v48 =	vld [tilespmem:$0x580]  }
0x4e: {  	v49 =	vld [tilespmem:$0x600]  }
0x4f: {  	v50 =	vld [tilespmem:$0x680]  }
0x50: {  	v51 =	vld [tilespmem:$0x700]  }
0x51: {  	v52 =	vld [tilespmem:$0x780]  }
0x52: {  	v53 =	vld [tilespmem:$0x500]  }
0x53: {  	v54 =	vld [tilespmem:$0x590]  }
0x54: {  	v55 =	vld [tilespmem:$0x610]  }
0x55: {  	v56 =	vld [tilespmem:$0x690]  }
0x56: {  	v57 =	vld [tilespmem:$0x710]  }
0x57: {  	v58 =	vld [tilespmem:$0x790]  }
0x58: {  	v59 =	vld [tilespmem:$0x510]  }
0x59: {  	v60 =	vld [tilespmem:$0x5A0]  }
0x5a: {  	v61 =	vld [tilespmem:$0x6A0]  }
0x5b: {  	v0 =	vadd.f32 v1, v0;
	v1 =	vld [tilespmem:$0x620]  }
0x5c: {  	v62 =	vadd.f32 v7, v6;
	v6 =	vld [tilespmem:$0x720]  }
0x5d: {  	v7 =	vld [tilespmem:$0x7A0]  }
0x5e: {  	v63 =	vadd.f32 v13, v12;
	v12 =	vld [tilespmem:$0x5B0]  }
0x5f: {  	v13 =	vld [tilespmem:$0x6B0]  }
0x60: {  	v19 =	vadd.f32 v19, v18;
	v18 =	vld [tilespmem:$0x530]  }
0x61: {  	[tilespmem:$0x910] =	vst v11;
	v11 =	vld [tilespmem:$0x640]  }
0x62: {  	v24 =	vadd.f32 v25, v24;
	[tilespmem:$0x920] =	vst v17;
	v17 =	vld [tilespmem:$0x740]  }
0x63: {  	v37 =	vadd.f32 v37, v36;
	v43 =	vadd.f32 v43, v42;
	[tilespmem:$0x950] =	vst v35;
	v35 =	vld [tilespmem:$0x7D0]  }
0x64: {  	[tilespmem:$0x940] =	vst v29;
	v29 =	vadd.f32 v55, v54;
	v36 =	vld [tilespmem:$0x5E0];
	v0 =	vadd.f32 v2, v0  }
0x65: {  	v42 =	vld [tilespmem:$0x6E0];
	v2 =	vadd.f32 v8, v62;
	v8 =	vadd.f32 v14, v63  }
0x66: {  	[tilespmem:$0x990] =	vst v59;
	v59 =	vld [tilespmem:$0x560];
	v25 =	vadd.f32 v26, v24;
	v26 =	vadd.f32 v31, v30  }
0x67: {  	v14 =	vld [tilespmem:$0x730];
	v38 =	vadd.f32 v38, v37;
	v62 =	vadd.f32 v49, v48  }
0x68: {  	v63 =	vld [tilespmem:$0x540];
	v0 =	vadd.f32 v3, v0;
	v2 =	vadd.f32 v9, v2  }
0x69: {  	v48 =	vld [tilespmem:$0x6F0];
	v8 =	vadd.f32 v15, v8;
	v9 =	vadd.f32 v20, v19  }
0x6a: {  	[tilespmem:$0x900] =	vst v5;
	v3 =	vld [tilespmem:$0x520];
	v5 =	vadd.f32 v27, v25;
	v27 =	vadd.f32 v44, v43  }
0x6b: {  	v15 =	vld [tilespmem:$0x7B0];
	v20 =	vadd.f32 v50, v62;
	v1 =	vadd.f32 v1, v60  }
0x6c: {  	[tilespmem:$0x930] =	vst v23;
	v19 =	vld [tilespmem:$0x7C0];
	v0 =	vadd.f32 v4, v0;
	v2 =	vadd.f32 v10, v2  }
0x6d: {  	[tilespmem:$0x960] =	vst v41;
	v44 =	vld [tilespmem:$0x5F0];
	v30 =	vadd.f32 v16, v8;
	v31 =	vadd.f32 v21, v9  }
0x6e: {  	[tilespmem:$0x970] =	vst v47;
	v4 =	vld [tilespmem:$0x630];
	v10 =	vadd.f32 v32, v26;
	v5 =	vadd.f32 v28, v5  }
0x6f: {  	[tilespmem:$0x980] =	vst v53;
	v9 =	vld [tilespmem:$0x5C0];
	v20 =	vadd.f32 v51, v20;
	v37 =	vadd.f32 v61, v1;
	v0 =	vmul.f32 $2.000000030e-01, v0  }
0x70: {  	[tilespmem:$0x9B0] =	vst v18;
	v16 =	vld [tilespmem:$0x6C0];
	v32 =	vadd.f32 v22, v31;
	v10 =	vadd.f32 v33, v10;
	v26 =	vmul.f32 $2.000000030e-01, v5  }
0x71: {  	v28 =	vld [tilespmem:$0x5D0];
	v5 =	vadd.f32 v45, v27;
	v22 =	vadd.f32 v56, v29;
	[tilespmem:$0xA00] =	vst v0;
	v0 =	vmul.f32 $2.000000030e-01, v30  }
0x72: {  	[tilespmem:$0x9E0] =	vst v59;
	v20 =	vadd.f32 v52, v20;
	v45 =	vld [tilespmem:$0x670];
	v10 =	vadd.f32 v34, v10  }
0x73: {  	v2 =	vmul.f32 $2.000000030e-01, v2;
	v30 =	vld [tilespmem:$0x650];
	v34 =	vadd.f32 v46, v5;
	[tilespmem:$0xA20] =	vst v0;
	v0 =	vadd.f32 v39, v38  }
0x74: {  	[tilespmem:$0x9C0] =	vst v63;
	v61 =	vld [tilespmem:$0x570];
	v22 =	vadd.f32 v57, v22;
	v9 =	vadd.f32 v11, v9  }
0x75: {  	[tilespmem:$0xA10] =	vst v2;
	v2 =	vmul.f32 $2.000000030e-01, v32;
	v32 =	vld [tilespmem:$0x6D0];
	v39 =	vadd.f32 v4, v12;
	v0 =	vadd.f32 v40, v0  }
0x76: {  	[tilespmem:$0x9A0] =	vst v3;
	v41 =	vadd.f32 v58, v22;
	v9 =	vadd.f32 v16, v9;
	v40 =	vld [tilespmem:$0x660]  }
0x77: {  	v56 =	vld [tilespmem:$0x550];
	[tilespmem:$0xA30] =	vst v2;
	v55 =	vadd.f32 v45, v44;
	v2 =	vadd.f32 v13, v39;
	v0 =	vmul.f32 $2.000000030e-01, v0  }
0x78: {  	v33 =	vld [tilespmem:$0x750];
	[tilespmem:$0xA40] =	vst v26;
	v43 =	vmul.f32 $2.000000030e-01, v20;
	v8 =	vadd.f32 v30, v28;
	v9 =	vadd.f32 v17, v9  }
0x79: {  	v53 =	vld [tilespmem:$0x770];
	v2 =	vadd.f32 v14, v2;
	[tilespmem:$0xA60] =	vst v0;
	v0 =	vadd.f32 v6, v37  }
0x7a: {  	v47 =	vld [tilespmem:$0x760];
	[tilespmem:$0xA80] =	vst v43;
	v8 =	vadd.f32 v32, v8;
	v52 =	vadd.f32 v19, v9  }
0x7b: {  	v57 =	vld [tilespmem:$0x7F0];
	v31 =	vmul.f32 $2.000000030e-01, v10;
	[tilespmem:$0x9F0] =	vst v61;
	v50 =	vadd.f32 v40, v36;
	v0 =	vadd.f32 v7, v0  }
0x7c: {  	v51 =	vld [tilespmem:$0x7E0];
	v38 =	vmul.f32 $2.000000030e-01, v34;
	[tilespmem:$0x9D0] =	vst v56;
	v49 =	vadd.f32 v15, v2;
	v2 =	vadd.f32 v48, v55  }
0x7d: {  	[tilespmem:$0xA50] =	vst v31;
	v8 =	vadd.f32 v33, v8;
	v54 =	vadd.f32 v42, v50;
	v0 =	vmul.f32 $2.000000030e-01, v0  }
0x7e: {  	[tilespmem:$0xA70] =	vst v38;
	v46 =	vmul.f32 $2.000000030e-01, v41;
	v2 =	vadd.f32 v53, v2  }
0x7f: {  	v58 =	vmul.f32 $2.000000030e-01, v52;
	v5 =	vadd.f32 v35, v8;
	[tilespmem:$0xAA0] =	vst v0;
	v0 =	vadd.f32 v47, v54  }
0x80: {  	[tilespmem:$0xA90] =	vst v46;
	v1 =	vmul.f32 $2.000000030e-01, v49;
	v62 =	vadd.f32 v57, v2  }
0x81: {  	[tilespmem:$0xAC0] =	vst v58;
	v60 =	vmul.f32 $2.000000030e-01, v5;
	v0 =	vadd.f32 v51, v0  }
0x82: {  	[tilespmem:$0xAB0] =	vst v1;
	v63 =	vmul.f32 $2.000000030e-01, v62  }
0x83: {  	[tilespmem:$0xAD0] =	vst v60;
	v0 =	vmul.f32 $2.000000030e-01, v0  }
0x84: {  	p0 =	sne.s32 s6, $0x1;
	[tilespmem:$0xAF0] =	vst v63  }
.Ltmp0:
0x85: {  	[tilespmem:$0xAE0] =	vst v0;
	(pc) =	sbr.rel @p0 .LBB2_1-.Ltmp0, $4  }
0x86: {  	[hbm4b:s5+s9] =	stream.strided.scatter [tilespmem:s14], [sflag:$0x2], $0x200, s13, s9, $0x38;
	[tilespmem:$0xB00] =	vst v63  }
0x87: {  	_ =	swait.ge [sflag:s7], $0x200  }
0x88: {  	[sflag:s7] =	ssyncset.done $0x0  }
0x89: {  	s6 =	sadd.s32 $0xFFFFFFFF, s6;
	[sflag:s7] =	ssyncadd.s32 $0xFFFFFE00  }
0x8a: {  	_ =	sfence.sel $0x180000  }
0x8b: {  	[bflag:$0x0] =	sbarrier.arrive $0xFFFF  }
0x8c: {  	p0 =	sne.s32 s2, $0x0;
	_ =	strace $0x90000047  }
0x8d: {  	s0 =	sadd.s32 @!p0 $0x100000, s0;
	[bflag:$0x2] =	sbarrier.arrive $0xFFFF  }
0x8e: {  	[sflag:s0] =	ssyncadd.tile.s32 @!p0 $0x1;
	_ =	shalt  }
.Lfunc_end2:
_tile_overlayer_lowered:
.L_overlay_start_2:
0x8f: {  	(tag) =	ssettag $0x2  }
0x90: {  	s0 =	rddreg [dreg:$0x0];
	s2 =	stileid.u32  }
0x91: {  	s1 =	rddreg [dreg:$0x1];
	p0 =	sne.s32 s2, $0x0  }
0x92: {  	s3 =	rddreg [dreg:$0x2];
	[bflag:$0x3] =	sbarrier.arrive $0xFFFF;
	s2 =	simm.s32 @!p0 $0x1C02  }
0x93: {  	[timem:s3], [sflag:s2] =	dma.local @!p0 [hbm:s0], s1  }
0x94: {  	s0 =	simm.s32 @!p0 $0x2  }
0x95: {  	_ =	swait.ge @!p0 [sflag:s0], s1  }
0x96: {  	s1 =	ssub.s32 @!p0 $0x0, s1;
	[sflag:s0] =	ssyncset.done @!p0 $0x0  }
0x97: {  	[sflag:s0] =	ssyncadd.s32 @!p0 s1  }
0x98: {  	[bflag:$0x3] =	sbarrier.arrive $0xFFFF  }
0x99: {  	_ =	shalt  }

</sc_bundles>
